<compile_context>
chip_gen: v7x
topology: tpu7x:2x2x1
jax: 0.10.2.dev20260603
libtpu: 0.0.44.dev20260713+nightly
codegen_flags: <defaults>
</compile_context>

<pallas_src>
import functools

import jax
import jax.numpy as jnp
from jax import lax
from jax.experimental import pallas as pl
from jax.experimental.pallas import tpu as pltpu
from jax.experimental.pallas import tpu_sc as plsc

N = 10000
E = 320000
D = 128

_NS = 16
_EPW = E // _NS
_CHUNK = 80
_NCHUNK = _EPW // _CHUNK
_RB = 80
_NRB = N // _RB
_ZDROUNDS = (_NRB + _NS - 1) // _NS
_NCP = 10240


def _sc_segsum_body(dst_hbm, src_hbm, ee_hbm,
                    sd_out, ss_out, cd_out, cs_out,
                    idx_v, rows_v, ridx_v,
                    acc_sh):
    c = lax.axis_index("c")
    s = lax.axis_index("s")

    zero16 = jnp.zeros((16,), jnp.float32)
    one16 = jnp.ones((16,), jnp.float32)
    lanes = lax.iota(jnp.int32, 16)

    def _zr(i, _):
        rows_v[i // 8, pl.ds((i % 8) * 16, 16)] = zero16
        return 0
    lax.fori_loop(0, _RB * 8, _zr, 0)

    def _zero_blk(j, _):
        blk = jnp.minimum(j * _NS + s, _NRB - 1)
        base = blk * _RB
        for k in range(_RB // 16):
            ridx_v[pl.ds(k * 16, 16)] = lanes + (base + k * 16)
        pltpu.sync_copy(rows_v, acc_sh.at[ridx_v])
        return 0
    lax.fori_loop(0, _ZDROUNDS, _zero_blk, 0)

    plsc.subcore_barrier()

    ebase = s * _EPW

    def _edge_chunk(it, _):
        b = ebase + it * _CHUNK

        @pl.when(c == 0)
        def _():
            pltpu.sync_copy(dst_hbm.at[pl.ds(b, _CHUNK)], idx_v)

        @pl.when(c == 1)
        def _():
            pltpu.sync_copy(src_hbm.at[pl.ds(b, _CHUNK)], idx_v)

        pltpu.sync_copy(ee_hbm.at[pl.ds(b, _CHUNK)], rows_v)
        pltpu.sync_copy(rows_v, acc_sh.at[idx_v], add=True)
        return 0

    lax.fori_loop(0, _NCHUNK, _edge_chunk, 0)
    plsc.subcore_barrier()

    def _drain_blk(j, _):
        blk = jnp.minimum(j * _NS + s, _NRB - 1)
        base = blk * _RB
        for k in range(_RB // 16):
            ridx_v[pl.ds(k * 16, 16)] = lanes + (base + k * 16)
        pltpu.sync_copy(acc_sh.at[ridx_v], rows_v)

        @pl.when(c == 0)
        def _():
            pltpu.sync_copy(rows_v, sd_out.at[pl.ds(base, _RB)])

        @pl.when(c == 1)
        def _():
            pltpu.sync_copy(rows_v, ss_out.at[pl.ds(base, _RB)])
        return 0
    lax.fori_loop(0, _ZDROUNDS, _drain_blk, 0)
    plsc.subcore_barrier()

    def _zr2(i, _):
        rows_v[i // 8, pl.ds((i % 8) * 16, 16)] = zero16
        return 0
    lax.fori_loop(0, _RB * 8, _zr2, 0)
    lax.fori_loop(0, _ZDROUNDS, _zero_blk, 0)

    def _or2(i, _):
        rows_v[i // 8, pl.ds((i % 8) * 16, 16)] = one16
        return 0
    lax.fori_loop(0, _RB * 8, _or2, 0)
    plsc.subcore_barrier()

    def _cnt_chunk(it, _):
        b = ebase + it * _CHUNK

        @pl.when(c == 0)
        def _():
            pltpu.sync_copy(dst_hbm.at[pl.ds(b, _CHUNK)], idx_v)

        @pl.when(c == 1)
        def _():
            pltpu.sync_copy(src_hbm.at[pl.ds(b, _CHUNK)], idx_v)

        pltpu.sync_copy(rows_v, acc_sh.at[idx_v], add=True)
        return 0

    lax.fori_loop(0, _NCHUNK, _cnt_chunk, 0)
    plsc.subcore_barrier()

    def _drain_cnt(j, _):
        blk = jnp.minimum(j * _NS + s, _NRB - 1)
        base = blk * _RB
        for k in range(_RB // 16):
            ridx_v[pl.ds(k * 16, 16)] = lanes + (base + k * 16)
        pltpu.sync_copy(acc_sh.at[ridx_v], rows_v)

        @pl.when(c == 0)
        def _():
            pltpu.sync_copy(rows_v, cd_out.at[pl.ds(base, _RB)])

        @pl.when(c == 1)
        def _():
            pltpu.sync_copy(rows_v, cs_out.at[pl.ds(base, _RB)])
        return 0
    lax.fori_loop(0, _ZDROUNDS, _drain_cnt, 0)


def _sc_segsum(dst, src, edge_embs):
    mesh = plsc.VectorSubcoreMesh(core_axis_name="c", subcore_axis_name="s")
    f32 = jnp.float32
    fn = functools.partial(
        pl.kernel,
        mesh=mesh,
        out_type=[
            jax.ShapeDtypeStruct((N, D), f32),
            jax.ShapeDtypeStruct((N, D), f32),
            jax.ShapeDtypeStruct((N, D), f32),
            jax.ShapeDtypeStruct((N, D), f32),
        ],
        scratch_types=[
            pltpu.VMEM((_CHUNK,), jnp.int32),
            pltpu.VMEM((_CHUNK, D), f32),
            pltpu.VMEM((_RB,), jnp.int32),
            pltpu.VMEM_SHARED((N, D), f32),
        ],
    )(_sc_segsum_body)
    return fn(dst, src, edge_embs)


def _h_body(node_ref, sd_ref, ss_ref, cd_ref, cs_ref,
            wo_ref, wi_ref, bo_ref, bi_ref, out_ref):
    n = node_ref[...]
    ho = cd_ref[...] * n - sd_ref[...]
    hi = cs_ref[...] * n - ss_ref[...]
    acc = jnp.dot(ho, wo_ref[...], preferred_element_type=jnp.float32)
    acc += jnp.dot(hi, wi_ref[...], preferred_element_type=jnp.float32)
    out_ref[...] = acc + bo_ref[...] + bi_ref[...]


def _he_body(ee_ref, w_ref, b_ref, out_ref):
    out_ref[...] = (
        jnp.dot(ee_ref[...], w_ref[...], preferred_element_type=jnp.float32)
        + b_ref[...]
    )


def kernel(node_embs, edge_index, edge_embs, W_O, b_O, W_I, b_I, W_rel, b_rel):
    src = edge_index[0]
    dst = edge_index[1]

    sd, ss, cd, cs = _sc_segsum(dst, src, edge_embs)

    cd_col = cd[:, 0:1]
    cs_col = cs[:, 0:1]

    h = pl.pallas_call(
        _h_body,
        out_shape=jax.ShapeDtypeStruct((N, D), jnp.float32),
    )(node_embs, sd, ss, cd_col, cs_col, W_O, W_I,
      b_O.reshape(1, D), b_I.reshape(1, D))

    BE = 2560
    he = pl.pallas_call(
        _he_body,
        grid=(E // BE,),
        in_specs=[
            pl.BlockSpec((BE, D), lambda i: (i, 0)),
            pl.BlockSpec((D, D), lambda i: (0, 0)),
            pl.BlockSpec((1, D), lambda i: (0, 0)),
        ],
        out_specs=pl.BlockSpec((BE, D), lambda i: (i, 0)),
        out_shape=jax.ShapeDtypeStruct((E, D), jnp.float32),
    )(edge_embs, W_rel, b_rel.reshape(1, D))

    return (h, he)

# --- scband reference (transcript-rebuilt; emitter-appended) ---
"""Pipeline reference for scband-comp-gcn-40810779247267 (READ-ONLY COPY).

The authoritative reference and input builder live on the scoring server;
editing this copy changes nothing except your own understanding.
"""

import jax, jax.numpy as jnp
import numpy as np

N = 10000
E = 320000
D_IN = 128
D_OUT = 128


def _linear_params(key, d_in, d_out):
    kw, kb = jax.random.split(key)
    s = 1.0 / np.sqrt(d_in)
    W = jax.random.uniform(kw, (d_in, d_out), minval=-s, maxval=s, dtype=jnp.float32)
    b = jax.random.uniform(kb, (d_out,), minval=-s, maxval=s, dtype=jnp.float32)
    return W, b


def setup_inputs(seed: int = 0):
    key = jax.random.key(seed)
    k1, k2, k3, k4, k5, k6 = jax.random.split(key, 6)
    node_embs = jax.random.normal(k1, (N, D_IN), dtype=jnp.float32)
    edge_index = jax.random.randint(k2, (2, E), 0, N, dtype=jnp.int32)
    edge_embs = jax.random.normal(k3, (E, D_IN), dtype=jnp.float32)
    W_O, b_O = _linear_params(k4, D_IN, D_OUT)
    W_I, b_I = _linear_params(k5, D_IN, D_OUT)
    W_rel, b_rel = _linear_params(k6, D_IN, D_OUT)
    return {
        'node_embs': node_embs,
        'edge_index': edge_index,
        'edge_embs': edge_embs,
        'W_O': W_O, 'b_O': b_O,
        'W_I': W_I, 'b_I': b_I,
        'W_rel': W_rel, 'b_rel': b_rel,
    }


def reference(node_embs, edge_index, edge_embs, W_O, b_O, W_I, b_I, W_rel, b_rel):
    # DGL semantics: edges go src -> dst.
    # update_all(fn.v_sub_e, fn.sum) on the original graph:
    #   ho[v] = sum over in-edges e=(u,v) of (h[v] - he[e])
    # on the reversed graph (dst of reversed edge = original src):
    #   hi[u] = sum over out-edges e=(u,v) of (h[u] - he[e])
    src = edge_index[0]
    dst = edge_index[1]
    msg_o = jnp.take(node_embs, dst, axis=0) - edge_embs  # per-edge message, gather
    ho = jax.ops.segment_sum(msg_o, dst, num_segments=N)  # scatter-add to dst
    msg_i = jnp.take(node_embs, src, axis=0) - edge_embs
    hi = jax.ops.segment_sum(msg_i, src, num_segments=N)  # scatter-add to src
    h = (ho @ W_O + b_O) + (hi @ W_I + b_I)
    he = edge_embs @ W_rel + b_rel
    return (h, he)

if __name__ == "__main__":
    import jax
    _d = setup_inputs()
    print(jax.jit(kernel)(*tuple(_d.values())))

</pallas_src>

<mosaic_0001>
#map = affine_map<(d0, d1) -> (0)>
#map1 = affine_map<(d0, d1) -> (0, 0)>
module attributes {stable_mosaic.version = 14 : i64} {
  func.func @_sc_segsum_body(%arg0: i32, %arg1: i32, %arg2: memref<320000xi32, #tpu.memory_space<hbm>>, %arg3: memref<320000xi32, #tpu.memory_space<hbm>>, %arg4: memref<320000x128xf32, #tpu.memory_space<hbm>>, %arg5: memref<10000x128xf32, #tpu.memory_space<hbm>>, %arg6: memref<10000x128xf32, #tpu.memory_space<hbm>>, %arg7: memref<10000x128xf32, #tpu.memory_space<hbm>>, %arg8: memref<10000x128xf32, #tpu.memory_space<hbm>>, %arg9: memref<80xi32, #tpu.memory_space<vmem>>, %arg10: memref<80x128xf32, #tpu.memory_space<vmem>>, %arg11: memref<80xi32, #tpu.memory_space<vmem>>, %arg12: memref<10000x128xf32, #tpu.memory_space<vmem_shared>>) attributes {dimension_semantics = [#tpu.dimension_semantics<core_parallel>, #tpu.dimension_semantics<subcore_parallel>], iteration_bounds = array<i64: 2, 16>, scalar_prefetch = 0 : i64, scratch_operands = 4 : i64, tpu.core_type = #tpu.core_type<sc_vector_subcore>, window_params = [{transform_indices = #map}, {transform_indices = #map}, {transform_indices = #map1}, {transform_indices = #map1}, {transform_indices = #map1}, {transform_indices = #map1}, {transform_indices = #map1}]} {
    %broadcast_in_dim3A = arith.constant 0.000000e+00 : f32
    %broadcast_in_dim3A_0 = vector.broadcast %broadcast_in_dim3A : f32 to vector<16xf32>
    %broadcast_in_dim3A_1 = arith.constant 1.000000e+00 : f32
    %broadcast_in_dim3A_2 = vector.broadcast %broadcast_in_dim3A_1 : f32 to vector<16xf32>
    %iota3A = tpu.iota {dimensions = array<i32: 0>} : vector<16xi32>
    %scan3A = arith.constant 0 : i32
    %scan3A_3 = arith.constant 0 : i32
    %scan3A_4 = arith.constant 640 : i32
    %scan3A_5 = arith.addi %scan3A_3, %scan3A_4 : i32
    %scan3A_6 = arith.constant 1 : i32
    %scan3A_7 = scf.for %scan3A_70 = %scan3A_3 to %scan3A_5 step %scan3A_6 iter_args(%scan3A_71 = %scan3A) -> (i32)  : i32 {
      %jit3A = arith.constant 8 : i32
      %div3A = arith.divsi %scan3A_70, %jit3A : i32
      %sign3A = arith.constant 0 : i32
      %sign3A_72 = arith.cmpi sgt, %scan3A_70, %sign3A : i32
      %sign3A_73 = arith.extui %sign3A_72 : i1 to i32
      %sign3A_74 = arith.constant 0 : i32
      %sign3A_75 = arith.cmpi slt, %scan3A_70, %sign3A_74 : i32
      %sign3A_76 = arith.extui %sign3A_75 : i1 to i32
      %sign3A_77 = arith.subi %sign3A_73, %sign3A_76 : i32
      %sign3A_78 = arith.constant 0 : i32
      %sign3A_79 = arith.cmpi sgt, %jit3A, %sign3A_78 : i32
      %sign3A_80 = arith.extui %sign3A_79 : i1 to i32
      %sign3A_81 = arith.constant 0 : i32
      %sign3A_82 = arith.cmpi slt, %jit3A, %sign3A_81 : i32
      %sign3A_83 = arith.extui %sign3A_82 : i1 to i32
      %sign3A_84 = arith.subi %sign3A_80, %sign3A_83 : i32
      %ne3A = arith.cmpi ne, %sign3A_77, %sign3A_84 : i32
      %rem3A = arith.remsi %scan3A_70, %jit3A : i32
      %ne3A_85 = arith.constant 0 : i32
      %ne3A_86 = arith.cmpi ne, %rem3A, %ne3A_85 : i32
      %and3A = arith.andi %ne3A, %ne3A_86 : i1
      %sub3A = arith.constant 1 : i32
      %sub3A_87 = arith.subi %div3A, %sub3A : i32
      %select_n3A = arith.select %and3A, %sub3A_87, %div3A : i32
      %jit3A_88 = arith.constant 8 : i32
      %eq3A = arith.constant 0 : i32
      %eq3A_89 = arith.cmpi eq, %jit3A_88, %eq3A : i32
      %jit3A_90 = arith.constant 1 : i32
      %select_n3A_91 = arith.select %eq3A_89, %jit3A_90, %jit3A_88 : i32
      %rem3A_92 = arith.remsi %scan3A_70, %select_n3A_91 : i32
      %ne3A_93 = arith.constant 0 : i32
      %ne3A_94 = arith.cmpi ne, %rem3A_92, %ne3A_93 : i32
      %lt3A = arith.constant 0 : i32
      %lt3A_95 = arith.cmpi slt, %rem3A_92, %lt3A : i32
      %lt3A_96 = arith.constant 0 : i32
      %lt3A_97 = arith.cmpi slt, %select_n3A_91, %lt3A_96 : i32
      %ne3A_98 = arith.xori %lt3A_95, %lt3A_97 : i1
      %and3A_99 = arith.andi %ne3A_98, %ne3A_94 : i1
      %add3A = arith.addi %rem3A_92, %select_n3A_91 : i32
      %select_n3A_100 = arith.select %and3A_99, %add3A, %rem3A_92 : i32
      %mul3A_101 = arith.constant 16 : i32
      %mul3A_102 = arith.muli %select_n3A_100, %mul3A_101 : i32
      %swap3A = arith.index_cast %select_n3A : i32 to index
      %swap3A_103 = arith.index_cast %mul3A_102 : i32 to index
      %swap3A_104 = tpu.vector_load %arg10[%swap3A, %swap3A_103] {strides = array<i32>} : memref<80x128xf32, #tpu.memory_space<vmem>>, vector<1x16xf32>,
      %swap3A_105 = vector.shape_cast %swap3A_104 : vector<1x16xf32> to vector<16xf32>
      %swap3A_106 = vector.shape_cast %broadcast_in_dim3A_0 : vector<16xf32> to vector<1x16xf32>
      tpu.vector_store %arg10[%swap3A, %swap3A_103], %swap3A_106 {strides = array<i32>} : memref<80x128xf32, #tpu.memory_space<vmem>>, vector<1x16xf32>,
      %scan3A_107 = arith.constant 0 : i32
      scf.yield %scan3A_107 : i32
    }
    %scan3A_8 = arith.constant 640 : i32
    %scan3A_9 = arith.constant 0 : i32
    %scan3A_10 = arith.constant 0 : i32
    %scan3A_11 = arith.constant 8 : i32
    %scan3A_12 = arith.addi %scan3A_10, %scan3A_11 : i32
    %scan3A_13 = arith.constant 1 : i32
    %scan3A_14 = scf.for %scan3A_70 = %scan3A_10 to %scan3A_12 step %scan3A_13 iter_args(%scan3A_71 = %scan3A_9) -> (i32)  : i32 {
      %mul3A_72 = arith.constant 16 : i32
      %mul3A_73 = arith.muli %scan3A_70, %mul3A_72 : i32
      %add3A = arith.addi %mul3A_73, %arg1 : i32
      %min3A = arith.constant 124 : i32
      %min3A_74 = arith.minsi %add3A, %min3A : i32
      %mul3A_75 = arith.constant 80 : i32
      %mul3A_76 = arith.muli %min3A_74, %mul3A_75 : i32
      %add3A_77 = arith.constant 0 : i32
      %add3A_78 = arith.addi %mul3A_76, %add3A_77 : i32
      %add3A_79 = vector.broadcast %add3A_78 : i32 to vector<16xi32>
      %add3A_80 = arith.addi %iota3A, %add3A_79 : vector<16xi32>
      %swap3A = arith.constant 0 : index
      %swap3A_81 = tpu.vector_load %arg11[%swap3A] {strides = array<i32>} : memref<80xi32, #tpu.memory_space<vmem>>, vector<16xi32>,
      %swap3A_82 = vector.shape_cast %swap3A_81 : vector<16xi32> to vector<16xi32>
      %swap3A_83 = vector.shape_cast %add3A_80 : vector<16xi32> to vector<16xi32>
      tpu.vector_store %arg11[%swap3A], %swap3A_83 {strides = array<i32>} : memref<80xi32, #tpu.memory_space<vmem>>, vector<16xi32>,
      %add3A_84 = arith.constant 16 : i32
      %add3A_85 = arith.addi %mul3A_76, %add3A_84 : i32
      %add3A_86 = vector.broadcast %add3A_85 : i32 to vector<16xi32>
      %add3A_87 = arith.addi %iota3A, %add3A_86 : vector<16xi32>
      %swap3A_88 = arith.constant 16 : index
      %swap3A_89 = tpu.vector_load %arg11[%swap3A_88] {strides = array<i32>} : memref<80xi32, #tpu.memory_space<vmem>>, vector<16xi32>,
      %swap3A_90 = vector.shape_cast %swap3A_89 : vector<16xi32> to vector<16xi32>
      %swap3A_91 = vector.shape_cast %add3A_87 : vector<16xi32> to vector<16xi32>
      tpu.vector_store %arg11[%swap3A_88], %swap3A_91 {strides = array<i32>} : memref<80xi32, #tpu.memory_space<vmem>>, vector<16xi32>,
      %add3A_92 = arith.constant 32 : i32
      %add3A_93 = arith.addi %mul3A_76, %add3A_92 : i32
      %add3A_94 = vector.broadcast %add3A_93 : i32 to vector<16xi32>
      %add3A_95 = arith.addi %iota3A, %add3A_94 : vector<16xi32>
      %swap3A_96 = arith.constant 32 : index
      %swap3A_97 = tpu.vector_load %arg11[%swap3A_96] {strides = array<i32>} : memref<80xi32, #tpu.memory_space<vmem>>, vector<16xi32>,
      %swap3A_98 = vector.shape_cast %swap3A_97 : vector<16xi32> to vector<16xi32>
      %swap3A_99 = vector.shape_cast %add3A_95 : vector<16xi32> to vector<16xi32>
      tpu.vector_store %arg11[%swap3A_96], %swap3A_99 {strides = array<i32>} : memref<80xi32, #tpu.memory_space<vmem>>, vector<16xi32>,
      %add3A_100 = arith.constant 48 : i32
      %add3A_101 = arith.addi %mul3A_76, %add3A_100 : i32
      %add3A_102 = vector.broadcast %add3A_101 : i32 to vector<16xi32>
      %add3A_103 = arith.addi %iota3A, %add3A_102 : vector<16xi32>
      %swap3A_104 = arith.constant 48 : index
      %swap3A_105 = tpu.vector_load %arg11[%swap3A_104] {strides = array<i32>} : memref<80xi32, #tpu.memory_space<vmem>>, vector<16xi32>,
      %swap3A_106 = vector.shape_cast %swap3A_105 : vector<16xi32> to vector<16xi32>
      %swap3A_107 = vector.shape_cast %add3A_103 : vector<16xi32> to vector<16xi32>
      tpu.vector_store %arg11[%swap3A_104], %swap3A_107 {strides = array<i32>} : memref<80xi32, #tpu.memory_space<vmem>>, vector<16xi32>,
      %add3A_108 = arith.constant 64 : i32
      %add3A_109 = arith.addi %mul3A_76, %add3A_108 : i32
      %add3A_110 = vector.broadcast %add3A_109 : i32 to vector<16xi32>
      %add3A_111 = arith.addi %iota3A, %add3A_110 : vector<16xi32>
      %swap3A_112 = arith.constant 64 : index
      %swap3A_113 = tpu.vector_load %arg11[%swap3A_112] {strides = array<i32>} : memref<80xi32, #tpu.memory_space<vmem>>, vector<16xi32>,
      %swap3A_114 = vector.shape_cast %swap3A_113 : vector<16xi32> to vector<16xi32>
      %swap3A_115 = vector.shape_cast %add3A_111 : vector<16xi32> to vector<16xi32>
      tpu.vector_store %arg11[%swap3A_112], %swap3A_115 {strides = array<i32>} : memref<80xi32, #tpu.memory_space<vmem>>, vector<16xi32>,
      "tpu.region"() ({
        %run_scoped3A = tpu.sem_alloc : memref<!tpu.dma_semaphore, #tpu.memory_space<semaphore_mem>>
        %dma_start3A = arith.constant 0 : i32
        %dma_start3A_117 = arith.constant 0 : i32
        %dma_start3A_118 = tpu.memref_slice %arg12[%dma_start3A, %dma_start3A_117] : memref<10000x128xf32, #tpu.memory_space<vmem_shared>> -> memref<10000x128xf32, #tpu.memory_space<vmem_shared>>
        tpu.enqueue_indirect_dma source(%arg10 : memref<80x128xf32, #tpu.memory_space<vmem>>) target(%dma_start3A_118 : memref<10000x128xf32, #tpu.memory_space<vmem_shared>>) offsets(%arg11 : memref<80xi32, #tpu.memory_space<vmem>>) semaphore(%run_scoped3A : memref<!tpu.dma_semaphore, #tpu.memory_space<semaphore_mem>>)
        %dma_wait3A = arith.constant 0 : i32
        %dma_wait3A_119 = arith.constant 0 : i32
        %dma_wait3A_120 = tpu.memref_slice %arg12[%dma_wait3A, %dma_wait3A_119] : memref<10000x128xf32, #tpu.memory_space<vmem_shared>> -> memref<10000x128xf32, #tpu.memory_space<vmem_shared>>
        tpu.wait_indirect_dma semaphore(%run_scoped3A : memref<!tpu.dma_semaphore, #tpu.memory_space<semaphore_mem>>) src(%arg10 : memref<80x128xf32, #tpu.memory_space<vmem>>) dst(%dma_wait3A_120 : memref<10000x128xf32, #tpu.memory_space<vmem_shared>>)
        tpu.yield
      }) : () -> ()
      %scan3A_116 = arith.constant 0 : i32
      scf.yield %scan3A_116 : i32
    }
    %scan3A_15 = arith.constant 8 : i32
    %barrier3A = arith.constant 0 : index
    tpu.barrier barrier_id(%barrier3A)
    %mul3A = arith.constant 20000 : i32
    %mul3A_16 = arith.muli %arg1, %mul3A : i32
    %scan3A_17 = arith.constant 0 : i32
    %scan3A_18 = arith.constant 0 : i32
    %scan3A_19 = arith.constant 250 : i32
    %scan3A_20 = arith.addi %scan3A_18, %scan3A_19 : i32
    %scan3A_21 = arith.constant 1 : i32
    %scan3A_22 = scf.for %scan3A_70 = %scan3A_18 to %scan3A_20 step %scan3A_21 iter_args(%scan3A_71 = %scan3A_17) -> (i32)  : i32 {
      %mul3A_72 = arith.constant 80 : i32
      %mul3A_73 = arith.muli %scan3A_70, %mul3A_72 : i32
      %add3A = arith.addi %mul3A_16, %mul3A_73 : i32
      %eq3A = arith.constant 0 : i32
      %eq3A_74 = arith.cmpi eq, %arg0, %eq3A : i32
      %convert_element_type3A = arith.extui %eq3A_74 : i1 to i32
      %cond3A = arith.constant 0 : i32
      %cond3A_75 = arith.cmpi ne, %convert_element_type3A, %cond3A : i32
      scf.if %cond3A_75 {
        "tpu.region"() ({
          %run_scoped3A = tpu.sem_alloc : memref<!tpu.dma_semaphore, #tpu.memory_space<semaphore_mem>>
          %dma_start3A = tpu.memref_slice %arg2[%add3A] : memref<320000xi32, #tpu.memory_space<hbm>> -> memref<80xi32, #tpu.memory_space<hbm>>
          %dma_start3A_82 = tpu.memref_slice %arg2[%add3A] : memref<320000xi32, #tpu.memory_space<hbm>> -> memref<80xi32, #tpu.memory_space<hbm>>
          tpu.enqueue_dma source(%dma_start3A_82 : memref<80xi32, #tpu.memory_space<hbm>>) target(%arg9 : memref<80xi32, #tpu.memory_space<vmem>>) target_semaphore(%run_scoped3A : memref<!tpu.dma_semaphore, #tpu.memory_space<semaphore_mem>>)
          %dma_wait3A = tpu.memref_slice %arg2[%add3A] : memref<320000xi32, #tpu.memory_space<hbm>> -> memref<80xi32, #tpu.memory_space<hbm>>
          %dma_wait3A_83 = tpu.memref_slice %arg2[%add3A] : memref<320000xi32, #tpu.memory_space<hbm>> -> memref<80xi32, #tpu.memory_space<hbm>>
          tpu.wait_dma2 semaphore(%run_scoped3A : memref<!tpu.dma_semaphore, #tpu.memory_space<semaphore_mem>>) src(%dma_wait3A_83 : memref<80xi32, #tpu.memory_space<hbm>>) dst(%arg9 : memref<80xi32, #tpu.memory_space<vmem>>)
          tpu.yield
        }) : () -> ()
      } else {
      }
      %eq3A_76 = arith.constant 1 : i32
      %eq3A_77 = arith.cmpi eq, %arg0, %eq3A_76 : i32
      %convert_element_type3A_78 = arith.extui %eq3A_77 : i1 to i32
      %cond3A_79 = arith.constant 0 : i32
      %cond3A_80 = arith.cmpi ne, %convert_element_type3A_78, %cond3A_79 : i32
      scf.if %cond3A_80 {
        "tpu.region"() ({
          %run_scoped3A = tpu.sem_alloc : memref<!tpu.dma_semaphore, #tpu.memory_space<semaphore_mem>>
          %dma_start3A = tpu.memref_slice %arg3[%add3A] : memref<320000xi32, #tpu.memory_space<hbm>> -> memref<80xi32, #tpu.memory_space<hbm>>
          %dma_start3A_82 = tpu.memref_slice %arg3[%add3A] : memref<320000xi32, #tpu.memory_space<hbm>> -> memref<80xi32, #tpu.memory_space<hbm>>
          tpu.enqueue_dma source(%dma_start3A_82 : memref<80xi32, #tpu.memory_space<hbm>>) target(%arg9 : memref<80xi32, #tpu.memory_space<vmem>>) target_semaphore(%run_scoped3A : memref<!tpu.dma_semaphore, #tpu.memory_space<semaphore_mem>>)
          %dma_wait3A = tpu.memref_slice %arg3[%add3A] : memref<320000xi32, #tpu.memory_space<hbm>> -> memref<80xi32, #tpu.memory_space<hbm>>
          %dma_wait3A_83 = tpu.memref_slice %arg3[%add3A] : memref<320000xi32, #tpu.memory_space<hbm>> -> memref<80xi32, #tpu.memory_space<hbm>>
          tpu.wait_dma2 semaphore(%run_scoped3A : memref<!tpu.dma_semaphore, #tpu.memory_space<semaphore_mem>>) src(%dma_wait3A_83 : memref<80xi32, #tpu.memory_space<hbm>>) dst(%arg9 : memref<80xi32, #tpu.memory_space<vmem>>)
          tpu.yield
        }) : () -> ()
      } else {
      }
      "tpu.region"() ({
        %run_scoped3A = tpu.sem_alloc : memref<!tpu.dma_semaphore, #tpu.memory_space<semaphore_mem>>
        %dma_start3A = arith.constant 0 : i32
        %dma_start3A_82 = tpu.memref_slice %arg4[%add3A, %dma_start3A] : memref<320000x128xf32, #tpu.memory_space<hbm>> -> memref<80x128xf32, #tpu.memory_space<hbm>>
        %dma_start3A_83 = arith.constant 0 : i32
        %dma_start3A_84 = tpu.memref_slice %arg4[%add3A, %dma_start3A_83] : memref<320000x128xf32, #tpu.memory_space<hbm>> -> memref<80x128xf32, #tpu.memory_space<hbm>>
        tpu.enqueue_dma source(%dma_start3A_84 : memref<80x128xf32, #tpu.memory_space<hbm>>) target(%arg10 : memref<80x128xf32, #tpu.memory_space<vmem>>) target_semaphore(%run_scoped3A : memref<!tpu.dma_semaphore, #tpu.memory_space<semaphore_mem>>)
        %dma_wait3A = arith.constant 0 : i32
        %dma_wait3A_85 = tpu.memref_slice %arg4[%add3A, %dma_wait3A] : memref<320000x128xf32, #tpu.memory_space<hbm>> -> memref<80x128xf32, #tpu.memory_space<hbm>>
        %dma_wait3A_86 = arith.constant 0 : i32
        %dma_wait3A_87 = tpu.memref_slice %arg4[%add3A, %dma_wait3A_86] : memref<320000x128xf32, #tpu.memory_space<hbm>> -> memref<80x128xf32, #tpu.memory_space<hbm>>
        tpu.wait_dma2 semaphore(%run_scoped3A : memref<!tpu.dma_semaphore, #tpu.memory_space<semaphore_mem>>) src(%dma_wait3A_87 : memref<80x128xf32, #tpu.memory_space<hbm>>) dst(%arg10 : memref<80x128xf32, #tpu.memory_space<vmem>>)
        tpu.yield
      }) : () -> ()
      "tpu.region"() ({
        %run_scoped3A = tpu.sem_alloc : memref<!tpu.dma_semaphore, #tpu.memory_space<semaphore_mem>>
        %dma_start3A = arith.constant 0 : i32
        %dma_start3A_82 = arith.constant 0 : i32
        %dma_start3A_83 = tpu.memref_slice %arg12[%dma_start3A, %dma_start3A_82] : memref<10000x128xf32, #tpu.memory_space<vmem_shared>> -> memref<10000x128xf32, #tpu.memory_space<vmem_shared>>
        tpu.enqueue_indirect_dma source(%arg10 : memref<80x128xf32, #tpu.memory_space<vmem>>) target(%dma_start3A_83 : memref<10000x128xf32, #tpu.memory_space<vmem_shared>>) offsets(%arg9 : memref<80xi32, #tpu.memory_space<vmem>>) semaphore(%run_scoped3A : memref<!tpu.dma_semaphore, #tpu.memory_space<semaphore_mem>>) {add = true}
        %dma_wait3A = arith.constant 0 : i32
        %dma_wait3A_84 = arith.constant 0 : i32
        %dma_wait3A_85 = tpu.memref_slice %arg12[%dma_wait3A, %dma_wait3A_84] : memref<10000x128xf32, #tpu.memory_space<vmem_shared>> -> memref<10000x128xf32, #tpu.memory_space<vmem_shared>>
        tpu.wait_indirect_dma semaphore(%run_scoped3A : memref<!tpu.dma_semaphore, #tpu.memory_space<semaphore_mem>>) src(%arg10 : memref<80x128xf32, #tpu.memory_space<vmem>>) dst(%dma_wait3A_85 : memref<10000x128xf32, #tpu.memory_space<vmem_shared>>)
        tpu.yield
      }) : () -> ()
      %scan3A_81 = arith.constant 0 : i32
      scf.yield %scan3A_81 : i32
    }
    %scan3A_23 = arith.constant 250 : i32
    %barrier3A_24 = arith.constant 0 : index
    tpu.barrier barrier_id(%barrier3A_24)
    %scan3A_25 = arith.constant 0 : i32
    %scan3A_26 = arith.constant 0 : i32
    %scan3A_27 = arith.constant 8 : i32
    %scan3A_28 = arith.addi %scan3A_26, %scan3A_27 : i32
    %scan3A_29 = arith.constant 1 : i32
    %scan3A_30 = scf.for %scan3A_70 = %scan3A_26 to %scan3A_28 step %scan3A_29 iter_args(%scan3A_71 = %scan3A_25) -> (i32)  : i32 {
      %mul3A_72 = arith.constant 16 : i32
      %mul3A_73 = arith.muli %scan3A_70, %mul3A_72 : i32
      %add3A = arith.addi %mul3A_73, %arg1 : i32
      %min3A = arith.constant 124 : i32
      %min3A_74 = arith.minsi %add3A, %min3A : i32
      %mul3A_75 = arith.constant 80 : i32
      %mul3A_76 = arith.muli %min3A_74, %mul3A_75 : i32
      %add3A_77 = arith.constant 0 : i32
      %add3A_78 = arith.addi %mul3A_76, %add3A_77 : i32
      %add3A_79 = vector.broadcast %add3A_78 : i32 to vector<16xi32>
      %add3A_80 = arith.addi %iota3A, %add3A_79 : vector<16xi32>
      %swap3A = arith.constant 0 : index
      %swap3A_81 = tpu.vector_load %arg11[%swap3A] {strides = array<i32>} : memref<80xi32, #tpu.memory_space<vmem>>, vector<16xi32>,
      %swap3A_82 = vector.shape_cast %swap3A_81 : vector<16xi32> to vector<16xi32>
      %swap3A_83 = vector.shape_cast %add3A_80 : vector<16xi32> to vector<16xi32>
      tpu.vector_store %arg11[%swap3A], %swap3A_83 {strides = array<i32>} : memref<80xi32, #tpu.memory_space<vmem>>, vector<16xi32>,
      %add3A_84 = arith.constant 16 : i32
      %add3A_85 = arith.addi %mul3A_76, %add3A_84 : i32
      %add3A_86 = vector.broadcast %add3A_85 : i32 to vector<16xi32>
      %add3A_87 = arith.addi %iota3A, %add3A_86 : vector<16xi32>
      %swap3A_88 = arith.constant 16 : index
      %swap3A_89 = tpu.vector_load %arg11[%swap3A_88] {strides = array<i32>} : memref<80xi32, #tpu.memory_space<vmem>>, vector<16xi32>,
      %swap3A_90 = vector.shape_cast %swap3A_89 : vector<16xi32> to vector<16xi32>
      %swap3A_91 = vector.shape_cast %add3A_87 : vector<16xi32> to vector<16xi32>
      tpu.vector_store %arg11[%swap3A_88], %swap3A_91 {strides = array<i32>} : memref<80xi32, #tpu.memory_space<vmem>>, vector<16xi32>,
      %add3A_92 = arith.constant 32 : i32
      %add3A_93 = arith.addi %mul3A_76, %add3A_92 : i32
      %add3A_94 = vector.broadcast %add3A_93 : i32 to vector<16xi32>
      %add3A_95 = arith.addi %iota3A, %add3A_94 : vector<16xi32>
      %swap3A_96 = arith.constant 32 : index
      %swap3A_97 = tpu.vector_load %arg11[%swap3A_96] {strides = array<i32>} : memref<80xi32, #tpu.memory_space<vmem>>, vector<16xi32>,
      %swap3A_98 = vector.shape_cast %swap3A_97 : vector<16xi32> to vector<16xi32>
      %swap3A_99 = vector.shape_cast %add3A_95 : vector<16xi32> to vector<16xi32>
      tpu.vector_store %arg11[%swap3A_96], %swap3A_99 {strides = array<i32>} : memref<80xi32, #tpu.memory_space<vmem>>, vector<16xi32>,
      %add3A_100 = arith.constant 48 : i32
      %add3A_101 = arith.addi %mul3A_76, %add3A_100 : i32
      %add3A_102 = vector.broadcast %add3A_101 : i32 to vector<16xi32>
      %add3A_103 = arith.addi %iota3A, %add3A_102 : vector<16xi32>
      %swap3A_104 = arith.constant 48 : index
      %swap3A_105 = tpu.vector_load %arg11[%swap3A_104] {strides = array<i32>} : memref<80xi32, #tpu.memory_space<vmem>>, vector<16xi32>,
      %swap3A_106 = vector.shape_cast %swap3A_105 : vector<16xi32> to vector<16xi32>
      %swap3A_107 = vector.shape_cast %add3A_103 : vector<16xi32> to vector<16xi32>
      tpu.vector_store %arg11[%swap3A_104], %swap3A_107 {strides = array<i32>} : memref<80xi32, #tpu.memory_space<vmem>>, vector<16xi32>,
      %add3A_108 = arith.constant 64 : i32
      %add3A_109 = arith.addi %mul3A_76, %add3A_108 : i32
      %add3A_110 = vector.broadcast %add3A_109 : i32 to vector<16xi32>
      %add3A_111 = arith.addi %iota3A, %add3A_110 : vector<16xi32>
      %swap3A_112 = arith.constant 64 : index
      %swap3A_113 = tpu.vector_load %arg11[%swap3A_112] {strides = array<i32>} : memref<80xi32, #tpu.memory_space<vmem>>, vector<16xi32>,
      %swap3A_114 = vector.shape_cast %swap3A_113 : vector<16xi32> to vector<16xi32>
      %swap3A_115 = vector.shape_cast %add3A_111 : vector<16xi32> to vector<16xi32>
      tpu.vector_store %arg11[%swap3A_112], %swap3A_115 {strides = array<i32>} : memref<80xi32, #tpu.memory_space<vmem>>, vector<16xi32>,
      "tpu.region"() ({
        %run_scoped3A = tpu.sem_alloc : memref<!tpu.dma_semaphore, #tpu.memory_space<semaphore_mem>>
        %dma_start3A = arith.constant 0 : i32
        %dma_start3A_124 = arith.constant 0 : i32
        %dma_start3A_125 = tpu.memref_slice %arg12[%dma_start3A, %dma_start3A_124] : memref<10000x128xf32, #tpu.memory_space<vmem_shared>> -> memref<10000x128xf32, #tpu.memory_space<vmem_shared>>
        tpu.enqueue_indirect_dma source(%dma_start3A_125 : memref<10000x128xf32, #tpu.memory_space<vmem_shared>>) target(%arg10 : memref<80x128xf32, #tpu.memory_space<vmem>>) offsets(%arg11 : memref<80xi32, #tpu.memory_space<vmem>>) semaphore(%run_scoped3A : memref<!tpu.dma_semaphore, #tpu.memory_space<semaphore_mem>>)
        %dma_wait3A = arith.constant 0 : i32
        %dma_wait3A_126 = arith.constant 0 : i32
        %dma_wait3A_127 = tpu.memref_slice %arg12[%dma_wait3A, %dma_wait3A_126] : memref<10000x128xf32, #tpu.memory_space<vmem_shared>> -> memref<10000x128xf32, #tpu.memory_space<vmem_shared>>
        tpu.wait_indirect_dma semaphore(%run_scoped3A : memref<!tpu.dma_semaphore, #tpu.memory_space<semaphore_mem>>) src(%dma_wait3A_127 : memref<10000x128xf32, #tpu.memory_space<vmem_shared>>) dst(%arg10 : memref<80x128xf32, #tpu.memory_space<vmem>>)
        tpu.yield
      }) : () -> ()
      %eq3A = arith.constant 0 : i32
      %eq3A_116 = arith.cmpi eq, %arg0, %eq3A : i32
      %convert_element_type3A = arith.extui %eq3A_116 : i1 to i32
      %cond3A = arith.constant 0 : i32
      %cond3A_117 = arith.cmpi ne, %convert_element_type3A, %cond3A : i32
      scf.if %cond3A_117 {
        "tpu.region"() ({
          %run_scoped3A = tpu.sem_alloc : memref<!tpu.dma_semaphore, #tpu.memory_space<semaphore_mem>>
          %dma_start3A = arith.constant 0 : i32
          %dma_start3A_124 = tpu.memref_slice %arg5[%mul3A_76, %dma_start3A] : memref<10000x128xf32, #tpu.memory_space<hbm>> -> memref<80x128xf32, #tpu.memory_space<hbm>>
          %dma_start3A_125 = arith.constant 0 : i32
          %dma_start3A_126 = tpu.memref_slice %arg5[%mul3A_76, %dma_start3A_125] : memref<10000x128xf32, #tpu.memory_space<hbm>> -> memref<80x128xf32, #tpu.memory_space<hbm>>
          tpu.enqueue_dma source(%arg10 : memref<80x128xf32, #tpu.memory_space<vmem>>) target(%dma_start3A_126 : memref<80x128xf32, #tpu.memory_space<hbm>>) target_semaphore(%run_scoped3A : memref<!tpu.dma_semaphore, #tpu.memory_space<semaphore_mem>>)
          %dma_wait3A = arith.constant 0 : i32
          %dma_wait3A_127 = tpu.memref_slice %arg5[%mul3A_76, %dma_wait3A] : memref<10000x128xf32, #tpu.memory_space<hbm>> -> memref<80x128xf32, #tpu.memory_space<hbm>>
          %dma_wait3A_128 = arith.constant 0 : i32
          %dma_wait3A_129 = tpu.memref_slice %arg5[%mul3A_76, %dma_wait3A_128] : memref<10000x128xf32, #tpu.memory_space<hbm>> -> memref<80x128xf32, #tpu.memory_space<hbm>>
          tpu.wait_dma2 semaphore(%run_scoped3A : memref<!tpu.dma_semaphore, #tpu.memory_space<semaphore_mem>>) src(%arg10 : memref<80x128xf32, #tpu.memory_space<vmem>>) dst(%dma_wait3A_129 : memref<80x128xf32, #tpu.memory_space<hbm>>)
          tpu.yield
        }) : () -> ()
      } else {
      }
      %eq3A_118 = arith.constant 1 : i32
      %eq3A_119 = arith.cmpi eq, %arg0, %eq3A_118 : i32
      %convert_element_type3A_120 = arith.extui %eq3A_119 : i1 to i32
      %cond3A_121 = arith.constant 0 : i32
      %cond3A_122 = arith.cmpi ne, %convert_element_type3A_120, %cond3A_121 : i32
      scf.if %cond3A_122 {
        "tpu.region"() ({
          %run_scoped3A = tpu.sem_alloc : memref<!tpu.dma_semaphore, #tpu.memory_space<semaphore_mem>>
          %dma_start3A = arith.constant 0 : i32
          %dma_start3A_124 = tpu.memref_slice %arg6[%mul3A_76, %dma_start3A] : memref<10000x128xf32, #tpu.memory_space<hbm>> -> memref<80x128xf32, #tpu.memory_space<hbm>>
          %dma_start3A_125 = arith.constant 0 : i32
          %dma_start3A_126 = tpu.memref_slice %arg6[%mul3A_76, %dma_start3A_125] : memref<10000x128xf32, #tpu.memory_space<hbm>> -> memref<80x128xf32, #tpu.memory_space<hbm>>
          tpu.enqueue_dma source(%arg10 : memref<80x128xf32, #tpu.memory_space<vmem>>) target(%dma_start3A_126 : memref<80x128xf32, #tpu.memory_space<hbm>>) target_semaphore(%run_scoped3A : memref<!tpu.dma_semaphore, #tpu.memory_space<semaphore_mem>>)
          %dma_wait3A = arith.constant 0 : i32
          %dma_wait3A_127 = tpu.memref_slice %arg6[%mul3A_76, %dma_wait3A] : memref<10000x128xf32, #tpu.memory_space<hbm>> -> memref<80x128xf32, #tpu.memory_space<hbm>>
          %dma_wait3A_128 = arith.constant 0 : i32
          %dma_wait3A_129 = tpu.memref_slice %arg6[%mul3A_76, %dma_wait3A_128] : memref<10000x128xf32, #tpu.memory_space<hbm>> -> memref<80x128xf32, #tpu.memory_space<hbm>>
          tpu.wait_dma2 semaphore(%run_scoped3A : memref<!tpu.dma_semaphore, #tpu.memory_space<semaphore_mem>>) src(%arg10 : memref<80x128xf32, #tpu.memory_space<vmem>>) dst(%dma_wait3A_129 : memref<80x128xf32, #tpu.memory_space<hbm>>)
          tpu.yield
        }) : () -> ()
      } else {
      }
      %scan3A_123 = arith.constant 0 : i32
      scf.yield %scan3A_123 : i32
    }
    %scan3A_31 = arith.constant 8 : i32
    %barrier3A_32 = arith.constant 0 : index
    tpu.barrier barrier_id(%barrier3A_32)
    %scan3A_33 = arith.constant 0 : i32
    %scan3A_34 = arith.constant 0 : i32
    %scan3A_35 = arith.constant 640 : i32
    %scan3A_36 = arith.addi %scan3A_34, %scan3A_35 : i32
    %scan3A_37 = arith.constant 1 : i32
    %scan3A_38 = scf.for %scan3A_70 = %scan3A_34 to %scan3A_36 step %scan3A_37 iter_args(%scan3A_71 = %scan3A_33) -> (i32)  : i32 {
      %jit3A = arith.constant 8 : i32
      %div3A = arith.divsi %scan3A_70, %jit3A : i32
      %sign3A = arith.constant 0 : i32
      %sign3A_72 = arith.cmpi sgt, %scan3A_70, %sign3A : i32
      %sign3A_73 = arith.extui %sign3A_72 : i1 to i32
      %sign3A_74 = arith.constant 0 : i32
      %sign3A_75 = arith.cmpi slt, %scan3A_70, %sign3A_74 : i32
      %sign3A_76 = arith.extui %sign3A_75 : i1 to i32
      %sign3A_77 = arith.subi %sign3A_73, %sign3A_76 : i32
      %sign3A_78 = arith.constant 0 : i32
      %sign3A_79 = arith.cmpi sgt, %jit3A, %sign3A_78 : i32
      %sign3A_80 = arith.extui %sign3A_79 : i1 to i32
      %sign3A_81 = arith.constant 0 : i32
      %sign3A_82 = arith.cmpi slt, %jit3A, %sign3A_81 : i32
      %sign3A_83 = arith.extui %sign3A_82 : i1 to i32
      %sign3A_84 = arith.subi %sign3A_80, %sign3A_83 : i32
      %ne3A = arith.cmpi ne, %sign3A_77, %sign3A_84 : i32
      %rem3A = arith.remsi %scan3A_70, %jit3A : i32
      %ne3A_85 = arith.constant 0 : i32
      %ne3A_86 = arith.cmpi ne, %rem3A, %ne3A_85 : i32
      %and3A = arith.andi %ne3A, %ne3A_86 : i1
      %sub3A = arith.constant 1 : i32
      %sub3A_87 = arith.subi %div3A, %sub3A : i32
      %select_n3A = arith.select %and3A, %sub3A_87, %div3A : i32
      %jit3A_88 = arith.constant 8 : i32
      %eq3A = arith.constant 0 : i32
      %eq3A_89 = arith.cmpi eq, %jit3A_88, %eq3A : i32
      %jit3A_90 = arith.constant 1 : i32
      %select_n3A_91 = arith.select %eq3A_89, %jit3A_90, %jit3A_88 : i32
      %rem3A_92 = arith.remsi %scan3A_70, %select_n3A_91 : i32
      %ne3A_93 = arith.constant 0 : i32
      %ne3A_94 = arith.cmpi ne, %rem3A_92, %ne3A_93 : i32
      %lt3A = arith.constant 0 : i32
      %lt3A_95 = arith.cmpi slt, %rem3A_92, %lt3A : i32
      %lt3A_96 = arith.constant 0 : i32
      %lt3A_97 = arith.cmpi slt, %select_n3A_91, %lt3A_96 : i32
      %ne3A_98 = arith.xori %lt3A_95, %lt3A_97 : i1
      %and3A_99 = arith.andi %ne3A_98, %ne3A_94 : i1
      %add3A = arith.addi %rem3A_92, %select_n3A_91 : i32
      %select_n3A_100 = arith.select %and3A_99, %add3A, %rem3A_92 : i32
      %mul3A_101 = arith.constant 16 : i32
      %mul3A_102 = arith.muli %select_n3A_100, %mul3A_101 : i32
      %swap3A = arith.index_cast %select_n3A : i32 to index
      %swap3A_103 = arith.index_cast %mul3A_102 : i32 to index
      %swap3A_104 = tpu.vector_load %arg10[%swap3A, %swap3A_103] {strides = array<i32>} : memref<80x128xf32, #tpu.memory_space<vmem>>, vector<1x16xf32>,
      %swap3A_105 = vector.shape_cast %swap3A_104 : vector<1x16xf32> to vector<16xf32>
      %swap3A_106 = vector.shape_cast %broadcast_in_dim3A_0 : vector<16xf32> to vector<1x16xf32>
      tpu.vector_store %arg10[%swap3A, %swap3A_103], %swap3A_106 {strides = array<i32>} : memref<80x128xf32, #tpu.memory_space<vmem>>, vector<1x16xf32>,
      %scan3A_107 = arith.constant 0 : i32
      scf.yield %scan3A_107 : i32
    }
    %scan3A_39 = arith.constant 640 : i32
    %scan3A_40 = arith.constant 0 : i32
    %scan3A_41 = arith.constant 0 : i32
    %scan3A_42 = arith.constant 8 : i32
    %scan3A_43 = arith.addi %scan3A_41, %scan3A_42 : i32
    %scan3A_44 = arith.constant 1 : i32
    %scan3A_45 = scf.for %scan3A_70 = %scan3A_41 to %scan3A_43 step %scan3A_44 iter_args(%scan3A_71 = %scan3A_40) -> (i32)  : i32 {
      %mul3A_72 = arith.constant 16 : i32
      %mul3A_73 = arith.muli %scan3A_70, %mul3A_72 : i32
      %add3A = arith.addi %mul3A_73, %arg1 : i32
      %min3A = arith.constant 124 : i32
      %min3A_74 = arith.minsi %add3A, %min3A : i32
      %mul3A_75 = arith.constant 80 : i32
      %mul3A_76 = arith.muli %min3A_74, %mul3A_75 : i32
      %add3A_77 = arith.constant 0 : i32
      %add3A_78 = arith.addi %mul3A_76, %add3A_77 : i32
      %add3A_79 = vector.broadcast %add3A_78 : i32 to vector<16xi32>
      %add3A_80 = arith.addi %iota3A, %add3A_79 : vector<16xi32>
      %swap3A = arith.constant 0 : index
      %swap3A_81 = tpu.vector_load %arg11[%swap3A] {strides = array<i32>} : memref<80xi32, #tpu.memory_space<vmem>>, vector<16xi32>,
      %swap3A_82 = vector.shape_cast %swap3A_81 : vector<16xi32> to vector<16xi32>
      %swap3A_83 = vector.shape_cast %add3A_80 : vector<16xi32> to vector<16xi32>
      tpu.vector_store %arg11[%swap3A], %swap3A_83 {strides = array<i32>} : memref<80xi32, #tpu.memory_space<vmem>>, vector<16xi32>,
      %add3A_84 = arith.constant 16 : i32
      %add3A_85 = arith.addi %mul3A_76, %add3A_84 : i32
      %add3A_86 = vector.broadcast %add3A_85 : i32 to vector<16xi32>
      %add3A_87 = arith.addi %iota3A, %add3A_86 : vector<16xi32>
      %swap3A_88 = arith.constant 16 : index
      %swap3A_89 = tpu.vector_load %arg11[%swap3A_88] {strides = array<i32>} : memref<80xi32, #tpu.memory_space<vmem>>, vector<16xi32>,
      %swap3A_90 = vector.shape_cast %swap3A_89 : vector<16xi32> to vector<16xi32>
      %swap3A_91 = vector.shape_cast %add3A_87 : vector<16xi32> to vector<16xi32>
      tpu.vector_store %arg11[%swap3A_88], %swap3A_91 {strides = array<i32>} : memref<80xi32, #tpu.memory_space<vmem>>, vector<16xi32>,
      %add3A_92 = arith.constant 32 : i32
      %add3A_93 = arith.addi %mul3A_76, %add3A_92 : i32
      %add3A_94 = vector.broadcast %add3A_93 : i32 to vector<16xi32>
      %add3A_95 = arith.addi %iota3A, %add3A_94 : vector<16xi32>
      %swap3A_96 = arith.constant 32 : index
      %swap3A_97 = tpu.vector_load %arg11[%swap3A_96] {strides = array<i32>} : memref<80xi32, #tpu.memory_space<vmem>>, vector<16xi32>,
      %swap3A_98 = vector.shape_cast %swap3A_97 : vector<16xi32> to vector<16xi32>
      %swap3A_99 = vector.shape_cast %add3A_95 : vector<16xi32> to vector<16xi32>
      tpu.vector_store %arg11[%swap3A_96], %swap3A_99 {strides = array<i32>} : memref<80xi32, #tpu.memory_space<vmem>>, vector<16xi32>,
      %add3A_100 = arith.constant 48 : i32
      %add3A_101 = arith.addi %mul3A_76, %add3A_100 : i32
      %add3A_102 = vector.broadcast %add3A_101 : i32 to vector<16xi32>
      %add3A_103 = arith.addi %iota3A, %add3A_102 : vector<16xi32>
      %swap3A_104 = arith.constant 48 : index
      %swap3A_105 = tpu.vector_load %arg11[%swap3A_104] {strides = array<i32>} : memref<80xi32, #tpu.memory_space<vmem>>, vector<16xi32>,
      %swap3A_106 = vector.shape_cast %swap3A_105 : vector<16xi32> to vector<16xi32>
      %swap3A_107 = vector.shape_cast %add3A_103 : vector<16xi32> to vector<16xi32>
      tpu.vector_store %arg11[%swap3A_104], %swap3A_107 {strides = array<i32>} : memref<80xi32, #tpu.memory_space<vmem>>, vector<16xi32>,
      %add3A_108 = arith.constant 64 : i32
      %add3A_109 = arith.addi %mul3A_76, %add3A_108 : i32
      %add3A_110 = vector.broadcast %add3A_109 : i32 to vector<16xi32>
      %add3A_111 = arith.addi %iota3A, %add3A_110 : vector<16xi32>
      %swap3A_112 = arith.constant 64 : index
      %swap3A_113 = tpu.vector_load %arg11[%swap3A_112] {strides = array<i32>} : memref<80xi32, #tpu.memory_space<vmem>>, vector<16xi32>,
      %swap3A_114 = vector.shape_cast %swap3A_113 : vector<16xi32> to vector<16xi32>
      %swap3A_115 = vector.shape_cast %add3A_111 : vector<16xi32> to vector<16xi32>
      tpu.vector_store %arg11[%swap3A_112], %swap3A_115 {strides = array<i32>} : memref<80xi32, #tpu.memory_space<vmem>>, vector<16xi32>,
      "tpu.region"() ({
        %run_scoped3A = tpu.sem_alloc : memref<!tpu.dma_semaphore, #tpu.memory_space<semaphore_mem>>
        %dma_start3A = arith.constant 0 : i32
        %dma_start3A_117 = arith.constant 0 : i32
        %dma_start3A_118 = tpu.memref_slice %arg12[%dma_start3A, %dma_start3A_117] : memref<10000x128xf32, #tpu.memory_space<vmem_shared>> -> memref<10000x128xf32, #tpu.memory_space<vmem_shared>>
        tpu.enqueue_indirect_dma source(%arg10 : memref<80x128xf32, #tpu.memory_space<vmem>>) target(%dma_start3A_118 : memref<10000x128xf32, #tpu.memory_space<vmem_shared>>) offsets(%arg11 : memref<80xi32, #tpu.memory_space<vmem>>) semaphore(%run_scoped3A : memref<!tpu.dma_semaphore, #tpu.memory_space<semaphore_mem>>)
        %dma_wait3A = arith.constant 0 : i32
        %dma_wait3A_119 = arith.constant 0 : i32
        %dma_wait3A_120 = tpu.memref_slice %arg12[%dma_wait3A, %dma_wait3A_119] : memref<10000x128xf32, #tpu.memory_space<vmem_shared>> -> memref<10000x128xf32, #tpu.memory_space<vmem_shared>>
        tpu.wait_indirect_dma semaphore(%run_scoped3A : memref<!tpu.dma_semaphore, #tpu.memory_space<semaphore_mem>>) src(%arg10 : memref<80x128xf32, #tpu.memory_space<vmem>>) dst(%dma_wait3A_120 : memref<10000x128xf32, #tpu.memory_space<vmem_shared>>)
        tpu.yield
      }) : () -> ()
      %scan3A_116 = arith.constant 0 : i32
      scf.yield %scan3A_116 : i32
    }
    %scan3A_46 = arith.constant 8 : i32
    %scan3A_47 = arith.constant 0 : i32
    %scan3A_48 = arith.constant 0 : i32
    %scan3A_49 = arith.constant 640 : i32
    %scan3A_50 = arith.addi %scan3A_48, %scan3A_49 : i32
    %scan3A_51 = arith.constant 1 : i32
    %scan3A_52 = scf.for %scan3A_70 = %scan3A_48 to %scan3A_50 step %scan3A_51 iter_args(%scan3A_71 = %scan3A_47) -> (i32)  : i32 {
      %jit3A = arith.constant 8 : i32
      %div3A = arith.divsi %scan3A_70, %jit3A : i32
      %sign3A = arith.constant 0 : i32
      %sign3A_72 = arith.cmpi sgt, %scan3A_70, %sign3A : i32
      %sign3A_73 = arith.extui %sign3A_72 : i1 to i32
      %sign3A_74 = arith.constant 0 : i32
      %sign3A_75 = arith.cmpi slt, %scan3A_70, %sign3A_74 : i32
      %sign3A_76 = arith.extui %sign3A_75 : i1 to i32
      %sign3A_77 = arith.subi %sign3A_73, %sign3A_76 : i32
      %sign3A_78 = arith.constant 0 : i32
      %sign3A_79 = arith.cmpi sgt, %jit3A, %sign3A_78 : i32
      %sign3A_80 = arith.extui %sign3A_79 : i1 to i32
      %sign3A_81 = arith.constant 0 : i32
      %sign3A_82 = arith.cmpi slt, %jit3A, %sign3A_81 : i32
      %sign3A_83 = arith.extui %sign3A_82 : i1 to i32
      %sign3A_84 = arith.subi %sign3A_80, %sign3A_83 : i32
      %ne3A = arith.cmpi ne, %sign3A_77, %sign3A_84 : i32
      %rem3A = arith.remsi %scan3A_70, %jit3A : i32
      %ne3A_85 = arith.constant 0 : i32
      %ne3A_86 = arith.cmpi ne, %rem3A, %ne3A_85 : i32
      %and3A = arith.andi %ne3A, %ne3A_86 : i1
      %sub3A = arith.constant 1 : i32
      %sub3A_87 = arith.subi %div3A, %sub3A : i32
      %select_n3A = arith.select %and3A, %sub3A_87, %div3A : i32
      %jit3A_88 = arith.constant 8 : i32
      %eq3A = arith.constant 0 : i32
      %eq3A_89 = arith.cmpi eq, %jit3A_88, %eq3A : i32
      %jit3A_90 = arith.constant 1 : i32
      %select_n3A_91 = arith.select %eq3A_89, %jit3A_90, %jit3A_88 : i32
      %rem3A_92 = arith.remsi %scan3A_70, %select_n3A_91 : i32
      %ne3A_93 = arith.constant 0 : i32
      %ne3A_94 = arith.cmpi ne, %rem3A_92, %ne3A_93 : i32
      %lt3A = arith.constant 0 : i32
      %lt3A_95 = arith.cmpi slt, %rem3A_92, %lt3A : i32
      %lt3A_96 = arith.constant 0 : i32
      %lt3A_97 = arith.cmpi slt, %select_n3A_91, %lt3A_96 : i32
      %ne3A_98 = arith.xori %lt3A_95, %lt3A_97 : i1
      %and3A_99 = arith.andi %ne3A_98, %ne3A_94 : i1
      %add3A = arith.addi %rem3A_92, %select_n3A_91 : i32
      %select_n3A_100 = arith.select %and3A_99, %add3A, %rem3A_92 : i32
      %mul3A_101 = arith.constant 16 : i32
      %mul3A_102 = arith.muli %select_n3A_100, %mul3A_101 : i32
      %swap3A = arith.index_cast %select_n3A : i32 to index
      %swap3A_103 = arith.index_cast %mul3A_102 : i32 to index
      %swap3A_104 = tpu.vector_load %arg10[%swap3A, %swap3A_103] {strides = array<i32>} : memref<80x128xf32, #tpu.memory_space<vmem>>, vector<1x16xf32>,
      %swap3A_105 = vector.shape_cast %swap3A_104 : vector<1x16xf32> to vector<16xf32>
      %swap3A_106 = vector.shape_cast %broadcast_in_dim3A_2 : vector<16xf32> to vector<1x16xf32>
      tpu.vector_store %arg10[%swap3A, %swap3A_103], %swap3A_106 {strides = array<i32>} : memref<80x128xf32, #tpu.memory_space<vmem>>, vector<1x16xf32>,
      %scan3A_107 = arith.constant 0 : i32
      scf.yield %scan3A_107 : i32
    }
    %scan3A_53 = arith.constant 640 : i32
    %barrier3A_54 = arith.constant 0 : index
    tpu.barrier barrier_id(%barrier3A_54)
    %scan3A_55 = arith.constant 0 : i32
    %scan3A_56 = arith.constant 0 : i32
    %scan3A_57 = arith.constant 250 : i32
    %scan3A_58 = arith.addi %scan3A_56, %scan3A_57 : i32
    %scan3A_59 = arith.constant 1 : i32
    %scan3A_60 = scf.for %scan3A_70 = %scan3A_56 to %scan3A_58 step %scan3A_59 iter_args(%scan3A_71 = %scan3A_55) -> (i32)  : i32 {
      %mul3A_72 = arith.constant 80 : i32
      %mul3A_73 = arith.muli %scan3A_70, %mul3A_72 : i32
      %add3A = arith.addi %mul3A_16, %mul3A_73 : i32
      %eq3A = arith.constant 0 : i32
      %eq3A_74 = arith.cmpi eq, %arg0, %eq3A : i32
      %convert_element_type3A = arith.extui %eq3A_74 : i1 to i32
      %cond3A = arith.constant 0 : i32
      %cond3A_75 = arith.cmpi ne, %convert_element_type3A, %cond3A : i32
      scf.if %cond3A_75 {
        "tpu.region"() ({
          %run_scoped3A = tpu.sem_alloc : memref<!tpu.dma_semaphore, #tpu.memory_space<semaphore_mem>>
          %dma_start3A = tpu.memref_slice %arg2[%add3A] : memref<320000xi32, #tpu.memory_space<hbm>> -> memref<80xi32, #tpu.memory_space<hbm>>
          %dma_start3A_82 = tpu.memref_slice %arg2[%add3A] : memref<320000xi32, #tpu.memory_space<hbm>> -> memref<80xi32, #tpu.memory_space<hbm>>
          tpu.enqueue_dma source(%dma_start3A_82 : memref<80xi32, #tpu.memory_space<hbm>>) target(%arg9 : memref<80xi32, #tpu.memory_space<vmem>>) target_semaphore(%run_scoped3A : memref<!tpu.dma_semaphore, #tpu.memory_space<semaphore_mem>>)
          %dma_wait3A = tpu.memref_slice %arg2[%add3A] : memref<320000xi32, #tpu.memory_space<hbm>> -> memref<80xi32, #tpu.memory_space<hbm>>
          %dma_wait3A_83 = tpu.memref_slice %arg2[%add3A] : memref<320000xi32, #tpu.memory_space<hbm>> -> memref<80xi32, #tpu.memory_space<hbm>>
          tpu.wait_dma2 semaphore(%run_scoped3A : memref<!tpu.dma_semaphore, #tpu.memory_space<semaphore_mem>>) src(%dma_wait3A_83 : memref<80xi32, #tpu.memory_space<hbm>>) dst(%arg9 : memref<80xi32, #tpu.memory_space<vmem>>)
          tpu.yield
        }) : () -> ()
      } else {
      }
      %eq3A_76 = arith.constant 1 : i32
      %eq3A_77 = arith.cmpi eq, %arg0, %eq3A_76 : i32
      %convert_element_type3A_78 = arith.extui %eq3A_77 : i1 to i32
      %cond3A_79 = arith.constant 0 : i32
      %cond3A_80 = arith.cmpi ne, %convert_element_type3A_78, %cond3A_79 : i32
      scf.if %cond3A_80 {
        "tpu.region"() ({
          %run_scoped3A = tpu.sem_alloc : memref<!tpu.dma_semaphore, #tpu.memory_space<semaphore_mem>>
          %dma_start3A = tpu.memref_slice %arg3[%add3A] : memref<320000xi32, #tpu.memory_space<hbm>> -> memref<80xi32, #tpu.memory_space<hbm>>
          %dma_start3A_82 = tpu.memref_slice %arg3[%add3A] : memref<320000xi32, #tpu.memory_space<hbm>> -> memref<80xi32, #tpu.memory_space<hbm>>
          tpu.enqueue_dma source(%dma_start3A_82 : memref<80xi32, #tpu.memory_space<hbm>>) target(%arg9 : memref<80xi32, #tpu.memory_space<vmem>>) target_semaphore(%run_scoped3A : memref<!tpu.dma_semaphore, #tpu.memory_space<semaphore_mem>>)
          %dma_wait3A = tpu.memref_slice %arg3[%add3A] : memref<320000xi32, #tpu.memory_space<hbm>> -> memref<80xi32, #tpu.memory_space<hbm>>
          %dma_wait3A_83 = tpu.memref_slice %arg3[%add3A] : memref<320000xi32, #tpu.memory_space<hbm>> -> memref<80xi32, #tpu.memory_space<hbm>>
          tpu.wait_dma2 semaphore(%run_scoped3A : memref<!tpu.dma_semaphore, #tpu.memory_space<semaphore_mem>>) src(%dma_wait3A_83 : memref<80xi32, #tpu.memory_space<hbm>>) dst(%arg9 : memref<80xi32, #tpu.memory_space<vmem>>)
          tpu.yield
        }) : () -> ()
      } else {
      }
      "tpu.region"() ({
        %run_scoped3A = tpu.sem_alloc : memref<!tpu.dma_semaphore, #tpu.memory_space<semaphore_mem>>
        %dma_start3A = arith.constant 0 : i32
        %dma_start3A_82 = arith.constant 0 : i32
        %dma_start3A_83 = tpu.memref_slice %arg12[%dma_start3A, %dma_start3A_82] : memref<10000x128xf32, #tpu.memory_space<vmem_shared>> -> memref<10000x128xf32, #tpu.memory_space<vmem_shared>>
        tpu.enqueue_indirect_dma source(%arg10 : memref<80x128xf32, #tpu.memory_space<vmem>>) target(%dma_start3A_83 : memref<10000x128xf32, #tpu.memory_space<vmem_shared>>) offsets(%arg9 : memref<80xi32, #tpu.memory_space<vmem>>) semaphore(%run_scoped3A : memref<!tpu.dma_semaphore, #tpu.memory_space<semaphore_mem>>) {add = true}
        %dma_wait3A = arith.constant 0 : i32
        %dma_wait3A_84 = arith.constant 0 : i32
        %dma_wait3A_85 = tpu.memref_slice %arg12[%dma_wait3A, %dma_wait3A_84] : memref<10000x128xf32, #tpu.memory_space<vmem_shared>> -> memref<10000x128xf32, #tpu.memory_space<vmem_shared>>
        tpu.wait_indirect_dma semaphore(%run_scoped3A : memref<!tpu.dma_semaphore, #tpu.memory_space<semaphore_mem>>) src(%arg10 : memref<80x128xf32, #tpu.memory_space<vmem>>) dst(%dma_wait3A_85 : memref<10000x128xf32, #tpu.memory_space<vmem_shared>>)
        tpu.yield
      }) : () -> ()
      %scan3A_81 = arith.constant 0 : i32
      scf.yield %scan3A_81 : i32
    }
    %scan3A_61 = arith.constant 250 : i32
    %barrier3A_62 = arith.constant 0 : index
    tpu.barrier barrier_id(%barrier3A_62)
    %scan3A_63 = arith.constant 0 : i32
    %scan3A_64 = arith.constant 0 : i32
    %scan3A_65 = arith.constant 8 : i32
    %scan3A_66 = arith.addi %scan3A_64, %scan3A_65 : i32
    %scan3A_67 = arith.constant 1 : i32
    %scan3A_68 = scf.for %scan3A_70 = %scan3A_64 to %scan3A_66 step %scan3A_67 iter_args(%scan3A_71 = %scan3A_63) -> (i32)  : i32 {
      %mul3A_72 = arith.constant 16 : i32
      %mul3A_73 = arith.muli %scan3A_70, %mul3A_72 : i32
      %add3A = arith.addi %mul3A_73, %arg1 : i32
      %min3A = arith.constant 124 : i32
      %min3A_74 = arith.minsi %add3A, %min3A : i32
      %mul3A_75 = arith.constant 80 : i32
      %mul3A_76 = arith.muli %min3A_74, %mul3A_75 : i32
      %add3A_77 = arith.constant 0 : i32
      %add3A_78 = arith.addi %mul3A_76, %add3A_77 : i32
      %add3A_79 = vector.broadcast %add3A_78 : i32 to vector<16xi32>
      %add3A_80 = arith.addi %iota3A, %add3A_79 : vector<16xi32>
      %swap3A = arith.constant 0 : index
      %swap3A_81 = tpu.vector_load %arg11[%swap3A] {strides = array<i32>} : memref<80xi32, #tpu.memory_space<vmem>>, vector<16xi32>,
      %swap3A_82 = vector.shape_cast %swap3A_81 : vector<16xi32> to vector<16xi32>
      %swap3A_83 = vector.shape_cast %add3A_80 : vector<16xi32> to vector<16xi32>
      tpu.vector_store %arg11[%swap3A], %swap3A_83 {strides = array<i32>} : memref<80xi32, #tpu.memory_space<vmem>>, vector<16xi32>,
      %add3A_84 = arith.constant 16 : i32
      %add3A_85 = arith.addi %mul3A_76, %add3A_84 : i32
      %add3A_86 = vector.broadcast %add3A_85 : i32 to vector<16xi32>
      %add3A_87 = arith.addi %iota3A, %add3A_86 : vector<16xi32>
      %swap3A_88 = arith.constant 16 : index
      %swap3A_89 = tpu.vector_load %arg11[%swap3A_88] {strides = array<i32>} : memref<80xi32, #tpu.memory_space<vmem>>, vector<16xi32>,
      %swap3A_90 = vector.shape_cast %swap3A_89 : vector<16xi32> to vector<16xi32>
      %swap3A_91 = vector.shape_cast %add3A_87 : vector<16xi32> to vector<16xi32>
      tpu.vector_store %arg11[%swap3A_88], %swap3A_91 {strides = array<i32>} : memref<80xi32, #tpu.memory_space<vmem>>, vector<16xi32>,
      %add3A_92 = arith.constant 32 : i32
      %add3A_93 = arith.addi %mul3A_76, %add3A_92 : i32
      %add3A_94 = vector.broadcast %add3A_93 : i32 to vector<16xi32>
      %add3A_95 = arith.addi %iota3A, %add3A_94 : vector<16xi32>
      %swap3A_96 = arith.constant 32 : index
      %swap3A_97 = tpu.vector_load %arg11[%swap3A_96] {strides = array<i32>} : memref<80xi32, #tpu.memory_space<vmem>>, vector<16xi32>,
      %swap3A_98 = vector.shape_cast %swap3A_97 : vector<16xi32> to vector<16xi32>
      %swap3A_99 = vector.shape_cast %add3A_95 : vector<16xi32> to vector<16xi32>
      tpu.vector_store %arg11[%swap3A_96], %swap3A_99 {strides = array<i32>} : memref<80xi32, #tpu.memory_space<vmem>>, vector<16xi32>,
      %add3A_100 = arith.constant 48 : i32
      %add3A_101 = arith.addi %mul3A_76, %add3A_100 : i32
      %add3A_102 = vector.broadcast %add3A_101 : i32 to vector<16xi32>
      %add3A_103 = arith.addi %iota3A, %add3A_102 : vector<16xi32>
      %swap3A_104 = arith.constant 48 : index
      %swap3A_105 = tpu.vector_load %arg11[%swap3A_104] {strides = array<i32>} : memref<80xi32, #tpu.memory_space<vmem>>, vector<16xi32>,
      %swap3A_106 = vector.shape_cast %swap3A_105 : vector<16xi32> to vector<16xi32>
      %swap3A_107 = vector.shape_cast %add3A_103 : vector<16xi32> to vector<16xi32>
      tpu.vector_store %arg11[%swap3A_104], %swap3A_107 {strides = array<i32>} : memref<80xi32, #tpu.memory_space<vmem>>, vector<16xi32>,
      %add3A_108 = arith.constant 64 : i32
      %add3A_109 = arith.addi %mul3A_76, %add3A_108 : i32
      %add3A_110 = vector.broadcast %add3A_109 : i32 to vector<16xi32>
      %add3A_111 = arith.addi %iota3A, %add3A_110 : vector<16xi32>
      %swap3A_112 = arith.constant 64 : index
      %swap3A_113 = tpu.vector_load %arg11[%swap3A_112] {strides = array<i32>} : memref<80xi32, #tpu.memory_space<vmem>>, vector<16xi32>,
      %swap3A_114 = vector.shape_cast %swap3A_113 : vector<16xi32> to vector<16xi32>
      %swap3A_115 = vector.shape_cast %add3A_111 : vector<16xi32> to vector<16xi32>
      tpu.vector_store %arg11[%swap3A_112], %swap3A_115 {strides = array<i32>} : memref<80xi32, #tpu.memory_space<vmem>>, vector<16xi32>,
      "tpu.region"() ({
        %run_scoped3A = tpu.sem_alloc : memref<!tpu.dma_semaphore, #tpu.memory_space<semaphore_mem>>
        %dma_start3A = arith.constant 0 : i32
        %dma_start3A_124 = arith.constant 0 : i32
        %dma_start3A_125 = tpu.memref_slice %arg12[%dma_start3A, %dma_start3A_124] : memref<10000x128xf32, #tpu.memory_space<vmem_shared>> -> memref<10000x128xf32, #tpu.memory_space<vmem_shared>>
        tpu.enqueue_indirect_dma source(%dma_start3A_125 : memref<10000x128xf32, #tpu.memory_space<vmem_shared>>) target(%arg10 : memref<80x128xf32, #tpu.memory_space<vmem>>) offsets(%arg11 : memref<80xi32, #tpu.memory_space<vmem>>) semaphore(%run_scoped3A : memref<!tpu.dma_semaphore, #tpu.memory_space<semaphore_mem>>)
        %dma_wait3A = arith.constant 0 : i32
        %dma_wait3A_126 = arith.constant 0 : i32
        %dma_wait3A_127 = tpu.memref_slice %arg12[%dma_wait3A, %dma_wait3A_126] : memref<10000x128xf32, #tpu.memory_space<vmem_shared>> -> memref<10000x128xf32, #tpu.memory_space<vmem_shared>>
        tpu.wait_indirect_dma semaphore(%run_scoped3A : memref<!tpu.dma_semaphore, #tpu.memory_space<semaphore_mem>>) src(%dma_wait3A_127 : memref<10000x128xf32, #tpu.memory_space<vmem_shared>>) dst(%arg10 : memref<80x128xf32, #tpu.memory_space<vmem>>)
        tpu.yield
      }) : () -> ()
      %eq3A = arith.constant 0 : i32
      %eq3A_116 = arith.cmpi eq, %arg0, %eq3A : i32
      %convert_element_type3A = arith.extui %eq3A_116 : i1 to i32
      %cond3A = arith.constant 0 : i32
      %cond3A_117 = arith.cmpi ne, %convert_element_type3A, %cond3A : i32
      scf.if %cond3A_117 {
        "tpu.region"() ({
          %run_scoped3A = tpu.sem_alloc : memref<!tpu.dma_semaphore, #tpu.memory_space<semaphore_mem>>
          %dma_start3A = arith.constant 0 : i32
          %dma_start3A_124 = tpu.memref_slice %arg7[%mul3A_76, %dma_start3A] : memref<10000x128xf32, #tpu.memory_space<hbm>> -> memref<80x128xf32, #tpu.memory_space<hbm>>
          %dma_start3A_125 = arith.constant 0 : i32
          %dma_start3A_126 = tpu.memref_slice %arg7[%mul3A_76, %dma_start3A_125] : memref<10000x128xf32, #tpu.memory_space<hbm>> -> memref<80x128xf32, #tpu.memory_space<hbm>>
          tpu.enqueue_dma source(%arg10 : memref<80x128xf32, #tpu.memory_space<vmem>>) target(%dma_start3A_126 : memref<80x128xf32, #tpu.memory_space<hbm>>) target_semaphore(%run_scoped3A : memref<!tpu.dma_semaphore, #tpu.memory_space<semaphore_mem>>)
          %dma_wait3A = arith.constant 0 : i32
          %dma_wait3A_127 = tpu.memref_slice %arg7[%mul3A_76, %dma_wait3A] : memref<10000x128xf32, #tpu.memory_space<hbm>> -> memref<80x128xf32, #tpu.memory_space<hbm>>
          %dma_wait3A_128 = arith.constant 0 : i32
          %dma_wait3A_129 = tpu.memref_slice %arg7[%mul3A_76, %dma_wait3A_128] : memref<10000x128xf32, #tpu.memory_space<hbm>> -> memref<80x128xf32, #tpu.memory_space<hbm>>
          tpu.wait_dma2 semaphore(%run_scoped3A : memref<!tpu.dma_semaphore, #tpu.memory_space<semaphore_mem>>) src(%arg10 : memref<80x128xf32, #tpu.memory_space<vmem>>) dst(%dma_wait3A_129 : memref<80x128xf32, #tpu.memory_space<hbm>>)
          tpu.yield
        }) : () -> ()
      } else {
      }
      %eq3A_118 = arith.constant 1 : i32
      %eq3A_119 = arith.cmpi eq, %arg0, %eq3A_118 : i32
      %convert_element_type3A_120 = arith.extui %eq3A_119 : i1 to i32
      %cond3A_121 = arith.constant 0 : i32
      %cond3A_122 = arith.cmpi ne, %convert_element_type3A_120, %cond3A_121 : i32
      scf.if %cond3A_122 {
        "tpu.region"() ({
          %run_scoped3A = tpu.sem_alloc : memref<!tpu.dma_semaphore, #tpu.memory_space<semaphore_mem>>
          %dma_start3A = arith.constant 0 : i32
          %dma_start3A_124 = tpu.memref_slice %arg8[%mul3A_76, %dma_start3A] : memref<10000x128xf32, #tpu.memory_space<hbm>> -> memref<80x128xf32, #tpu.memory_space<hbm>>
          %dma_start3A_125 = arith.constant 0 : i32
          %dma_start3A_126 = tpu.memref_slice %arg8[%mul3A_76, %dma_start3A_125] : memref<10000x128xf32, #tpu.memory_space<hbm>> -> memref<80x128xf32, #tpu.memory_space<hbm>>
          tpu.enqueue_dma source(%arg10 : memref<80x128xf32, #tpu.memory_space<vmem>>) target(%dma_start3A_126 : memref<80x128xf32, #tpu.memory_space<hbm>>) target_semaphore(%run_scoped3A : memref<!tpu.dma_semaphore, #tpu.memory_space<semaphore_mem>>)
          %dma_wait3A = arith.constant 0 : i32
          %dma_wait3A_127 = tpu.memref_slice %arg8[%mul3A_76, %dma_wait3A] : memref<10000x128xf32, #tpu.memory_space<hbm>> -> memref<80x128xf32, #tpu.memory_space<hbm>>
          %dma_wait3A_128 = arith.constant 0 : i32
          %dma_wait3A_129 = tpu.memref_slice %arg8[%mul3A_76, %dma_wait3A_128] : memref<10000x128xf32, #tpu.memory_space<hbm>> -> memref<80x128xf32, #tpu.memory_space<hbm>>
          tpu.wait_dma2 semaphore(%run_scoped3A : memref<!tpu.dma_semaphore, #tpu.memory_space<semaphore_mem>>) src(%arg10 : memref<80x128xf32, #tpu.memory_space<vmem>>) dst(%dma_wait3A_129 : memref<80x128xf32, #tpu.memory_space<hbm>>)
          tpu.yield
        }) : () -> ()
      } else {
      }
      %scan3A_123 = arith.constant 0 : i32
      scf.yield %scan3A_123 : i32
    }
    %scan3A_69 = arith.constant 8 : i32
    return
  }
}

module attributes {stable_mosaic.version = 14 : i64} {
  func.func @_h_body(%arg0: memref<10000x128xf32, #tpu.memory_space<vmem>>, %arg1: memref<10000x128xf32, #tpu.memory_space<vmem>>, %arg2: memref<10000x128xf32, #tpu.memory_space<vmem>>, %arg3: memref<10000x1xf32, #tpu.memory_space<vmem>>, %arg4: memref<10000x1xf32, #tpu.memory_space<vmem>>, %arg5: memref<128x128xf32, #tpu.memory_space<vmem>>, %arg6: memref<128x128xf32, #tpu.memory_space<vmem>>, %arg7: memref<1x128xf32, #tpu.memory_space<vmem>>, %arg8: memref<1x128xf32, #tpu.memory_space<vmem>>, %arg9: memref<10000x128xf32, #tpu.memory_space<vmem>>) attributes {dimension_semantics = [], scalar_prefetch = 0 : i64, scratch_operands = 0 : i64, tpu.core_type = #tpu.core_type<tc>} {
    %get3A = arith.constant 0 : index
    %get3A_0 = arith.constant 0 : index
    %get3A_1 = vector.load %arg0[%get3A, %get3A_0] : memref<10000x128xf32, #tpu.memory_space<vmem>>, vector<10000x128xf32>
    %get3A_2 = arith.constant 0 : index
    %get3A_3 = arith.constant 0 : index
    %get3A_4 = vector.load %arg3[%get3A_2, %get3A_3] : memref<10000x1xf32, #tpu.memory_space<vmem>>, vector<10000x1xf32>
    %mul3A = vector.broadcast %get3A_4 : vector<10000x1xf32> to vector<10000x128xf32>
    %mul3A_5 = arith.mulf %mul3A, %get3A_1 : vector<10000x128xf32>
    %get3A_6 = arith.constant 0 : index
    %get3A_7 = arith.constant 0 : index
    %get3A_8 = vector.load %arg1[%get3A_6, %get3A_7] : memref<10000x128xf32, #tpu.memory_space<vmem>>, vector<10000x128xf32>
    %sub3A = arith.subf %mul3A_5, %get3A_8 : vector<10000x128xf32>
    %get3A_9 = arith.constant 0 : index
    %get3A_10 = arith.constant 0 : index
    %get3A_11 = vector.load %arg4[%get3A_9, %get3A_10] : memref<10000x1xf32, #tpu.memory_space<vmem>>, vector<10000x1xf32>
    %mul3A_12 = vector.broadcast %get3A_11 : vector<10000x1xf32> to vector<10000x128xf32>
    %mul3A_13 = arith.mulf %mul3A_12, %get3A_1 : vector<10000x128xf32>
    %get3A_14 = arith.constant 0 : index
    %get3A_15 = arith.constant 0 : index
    %get3A_16 = vector.load %arg2[%get3A_14, %get3A_15] : memref<10000x128xf32, #tpu.memory_space<vmem>>, vector<10000x128xf32>
    %sub3A_17 = arith.subf %mul3A_13, %get3A_16 : vector<10000x128xf32>
    %get3A_18 = arith.constant 0 : index
    %get3A_19 = arith.constant 0 : index
    %get3A_20 = vector.load %arg5[%get3A_18, %get3A_19] : memref<128x128xf32, #tpu.memory_space<vmem>>, vector<128x128xf32>
    %dot_general3A = arith.constant dense<0.000000e+00> : vector<10000x128xf32>
    %dot_general3A_21 = tpu.matmul %sub3A, %get3A_20, %dot_general3A {dimension_numbers = #tpu.dot_dimension_numbers<[1], [0], [0], [1], [0, 0, 1, 1], [], []>, transpose_lhs_hint = false} : vector<10000x128xf32>, vector<128x128xf32>, vector<10000x128xf32> -> vector<10000x128xf32>
    %get3A_22 = arith.constant 0 : index
    %get3A_23 = arith.constant 0 : index
    %get3A_24 = vector.load %arg6[%get3A_22, %get3A_23] : memref<128x128xf32, #tpu.memory_space<vmem>>, vector<128x128xf32>
    %dot_general3A_25 = arith.constant dense<0.000000e+00> : vector<10000x128xf32>
    %dot_general3A_26 = tpu.matmul %sub3A_17, %get3A_24, %dot_general3A_25 {dimension_numbers = #tpu.dot_dimension_numbers<[1], [0], [0], [1], [0, 0, 1, 1], [], []>, transpose_lhs_hint = false} : vector<10000x128xf32>, vector<128x128xf32>, vector<10000x128xf32> -> vector<10000x128xf32>
    %add3A = arith.addf %dot_general3A_21, %dot_general3A_26 : vector<10000x128xf32>
    %get3A_27 = arith.constant 0 : index
    %get3A_28 = arith.constant 0 : index
    %get3A_29 = vector.load %arg7[%get3A_27, %get3A_28] : memref<1x128xf32, #tpu.memory_space<vmem>>, vector<1x128xf32>
    %add3A_30 = vector.broadcast %get3A_29 : vector<1x128xf32> to vector<10000x128xf32>
    %add3A_31 = arith.addf %add3A, %add3A_30 : vector<10000x128xf32>
    %get3A_32 = arith.constant 0 : index
    %get3A_33 = arith.constant 0 : index
    %get3A_34 = vector.load %arg8[%get3A_32, %get3A_33] : memref<1x128xf32, #tpu.memory_space<vmem>>, vector<1x128xf32>
    %add3A_35 = vector.broadcast %get3A_34 : vector<1x128xf32> to vector<10000x128xf32>
    %add3A_36 = arith.addf %add3A_31, %add3A_35 : vector<10000x128xf32>
    %swap3A = arith.constant 0 : index
    %swap3A_37 = arith.constant 0 : index
    %swap3A_38 = vector.load %arg9[%swap3A, %swap3A_37] : memref<10000x128xf32, #tpu.memory_space<vmem>>, vector<10000x128xf32>
    tpu.vector_store %arg9[%swap3A, %swap3A_37], %add3A_36 {strides = array<i32>} : memref<10000x128xf32, #tpu.memory_space<vmem>>, vector<10000x128xf32>,
    return
  }
}

module attributes {stable_mosaic.version = 14 : i64} {
  func.func @_he_body(%arg0: i32, %arg1: memref<2560x128xf32, #tpu.memory_space<vmem>>, %arg2: memref<128x128xf32, #tpu.memory_space<vmem>>, %arg3: memref<1x128xf32, #tpu.memory_space<vmem>>, %arg4: memref<2560x128xf32, #tpu.memory_space<vmem>>) attributes {dimension_semantics = [#tpu.dimension_semantics<arbitrary>], iteration_bounds = array<i64: 125>, scalar_prefetch = 0 : i64, scratch_operands = 0 : i64, tpu.core_type = #tpu.core_type<tc>, window_params = [{transform_indices = @transform_0, window_bounds = array<i64: 2560, 128>}, {pipeline_mode = #tpu.pipeline_mode<synchronous>, transform_indices = @transform_1, window_bounds = array<i64: 128, 128>}, {pipeline_mode = #tpu.pipeline_mode<synchronous>, transform_indices = @transform_2, window_bounds = array<i64: 1, 128>}, {transform_indices = @transform_3, window_bounds = array<i64: 2560, 128>}]} {
    %get3A = arith.constant 0 : index
    %get3A_0 = arith.constant 0 : index
    %get3A_1 = vector.load %arg1[%get3A, %get3A_0] : memref<2560x128xf32, #tpu.memory_space<vmem>>, vector<2560x128xf32>
    %get3A_2 = arith.constant 0 : index
    %get3A_3 = arith.constant 0 : index
    %get3A_4 = vector.load %arg2[%get3A_2, %get3A_3] : memref<128x128xf32, #tpu.memory_space<vmem>>, vector<128x128xf32>
    %dot_general3A = arith.constant dense<0.000000e+00> : vector<2560x128xf32>
    %dot_general3A_5 = tpu.matmul %get3A_1, %get3A_4, %dot_general3A {dimension_numbers = #tpu.dot_dimension_numbers<[1], [0], [0], [1], [0, 0, 1, 1], [], []>, transpose_lhs_hint = false} : vector<2560x128xf32>, vector<128x128xf32>, vector<2560x128xf32> -> vector<2560x128xf32>
    %get3A_6 = arith.constant 0 : index
    %get3A_7 = arith.constant 0 : index
    %get3A_8 = vector.load %arg3[%get3A_6, %get3A_7] : memref<1x128xf32, #tpu.memory_space<vmem>>, vector<1x128xf32>
    %add3A = vector.broadcast %get3A_8 : vector<1x128xf32> to vector<2560x128xf32>
    %add3A_9 = arith.addf %dot_general3A_5, %add3A : vector<2560x128xf32>
    %swap3A = arith.constant 0 : index
    %swap3A_10 = arith.constant 0 : index
    %swap3A_11 = vector.load %arg4[%swap3A, %swap3A_10] : memref<2560x128xf32, #tpu.memory_space<vmem>>, vector<2560x128xf32>
    tpu.vector_store %arg4[%swap3A, %swap3A_10], %add3A_9 {strides = array<i32>} : memref<2560x128xf32, #tpu.memory_space<vmem>>, vector<2560x128xf32>,
    return
  }
  func.func @transform_0(%arg0: i32) -> (i32, i32) {
    %c0_i32 = arith.constant 0 : i32
    %c0_i32_0 = arith.constant 0 : i32
    return %arg0, %c0_i32 : i32, i32
  }
  func.func @transform_1(%arg0: i32) -> (i32, i32) {
    %c0_i32 = arith.constant 0 : i32
    %c0_i32_0 = arith.constant 0 : i32
    %c0_i32_1 = arith.constant 0 : i32
    return %c0_i32, %c0_i32_0 : i32, i32
  }
  func.func @transform_2(%arg0: i32) -> (i32, i32) {
    %c0_i32 = arith.constant 0 : i32
    %c0_i32_0 = arith.constant 0 : i32
    %c0_i32_1 = arith.constant 0 : i32
    return %c0_i32, %c0_i32_0 : i32, i32
  }
  func.func @transform_3(%arg0: i32) -> (i32, i32) {
    %c0_i32 = arith.constant 0 : i32
    %c0_i32_0 = arith.constant 0 : i32
    return %arg0, %c0_i32 : i32, i32
  }
}

</mosaic_0001>

<sc_bundles>
// kernel: kernel.5.cloned.1.call-start
scs
__scs_entry_jumppad:
0x0: {  	(pc) =	sbr.rel $0x88, $3  }
0x1: {  	(tag) =	ssettag $0x0;
	lr =	simm.s32 $0x1  }
0x2: {  	[smem:$0x3F98] =	sst lr;
	_ =	strace $0xD0000000  }
0x3: {  	_ = 	snop  }
0x4: {  	_ = 	snop  }
0x5: {  	_ = 	snop  }
0x6: {  	_ = 	snop  }
0x7: {  	_ = 	snop  }
__scs_overlays_trampoline_lowered:
0x8: {  	[smem:$0x3FA7] =	sst s0  }
0x9: {  	[smem:$0x3FA8] =	sst s1  }
0xa: {  	[smem:$0x3FA9] =	sst s2  }
0xb: {  	[smem:$0x3FAA] =	sst s3  }
0xc: {  	[smem:$0x3FAB] =	sst s4  }
0xd: {  	[smem:$0x3FAC] =	sst s5  }
0xe: {  	[smem:$0x3FAD] =	sst s6  }
0xf: {  	[smem:$0x3FAE] =	sst s7  }
0x10: {  	[smem:$0x3FAF] =	sst s8  }
0x11: {  	[smem:$0x3FB0] =	sst s9;
	s0 =	simm.s32 @!p0 $0x0  }
0x12: {  	s1 =	sld [smem:$0x3F96];
	s0 =	simm.s32 @p0 $0x1  }
0x13: {  	[smem:$0x3FB1] =	sst s0;
	s0 =	simm.s32 @!p1 $0x0  }
0x14: {  	s2 =	sld [smem:$0x3F95];
	s0 =	simm.s32 @p1 $0x1  }
0x15: {  	[smem:$0x3FB2] =	sst s0;
	s0 =	simm.s32 @!p2 $0x0  }
0x16: {  	s3 =	sld [smem:$0x3FDB];
	s0 =	simm.s32 @p2 $0x1  }
0x17: {  	s4 =	simm.s32 $0x1BF5;
	[smem:$0x3FB4] =	sst s0  }
0x18: {  	s0 =	sld [smem:$0x3F97];
	_ =	swait.ge [sflag:s4], $0x0  }
0x19: {  	s7 =	sld [smem:$0x3F98]  }
0x1a: {  	s8 =	sadd.s32 $0xFFFFE003, lr  }
0x1b: {  	s9 =	sadd.s32 $0xFFFFFEF7, lr;
	s5 =	simm.s32 $0xFFFFFFFF;
	p2 =	slt.u32 s8, $0xFFFFF086  }
0x1c: {  	p1 =	slt.u32 s9, $0xF7A;
	s5 =	simm.s32 @!p2 $0x0  }
0x1d: {  	s5 =	simm.s32 @p1 $0x1;
	p0 =	seq.s32 s7, s2  }
0x1e: {  	s7 =	smul.u32 @!p0 $0xF7A, s2;
	p2 =	seq.s32 @!p0 s5, $0x0  }
0x1f: {  	s9 =	smul.u32 $0xF7A, s1;
	s8 =	simm.s32 @!p0 $0x1BF5;
	p2 =	por !p2, p0  }
0x20: {  	[sflag:s8] =	ssyncset.s32 @!p0 $0xFFFFF086;
	s6 =	sadd.s32 @!p0 s3, s7;
	s7 =	simm.s32 @!p0 $0x108  }
0x21: {  	s3 =	sadd.s32 s3, s9;
	s6 =	sadd.s32 @!p0 $0x88, s6;
	s7 =	simm.s32 @p2 $0x1082  }
0x22: {  	[simem:s7], [sflag:s8] =	dma.local @!p0 [hbm:s6], $0xF7A  }
0x23: {  	s9 =	sor.u32 $0xD0000000, s2;
	s6 =	simm.s32 $0x108;
	_ =	swait.ge @!p0 [sflag:s8], $0x0  }
0x24: {  	s3 =	sadd.s32 $0x88, s3;
	s6 =	simm.s32 @!p1 $0x1082;
	[sflag:s4] =	ssyncset.s32 $0xFFFFF086  }
0x25: {  	[simem:s6], [sflag:s4] =	dma.local [hbm:s3], $0xF7A  }
0x26: {  	[smem:$0x3F98] =	sst s1;
	(tag) =	ssettag s2;
	_ =	strace s9  }
0x27: {  	s1 =	sld [smem:$0x3FA8]  }
0x28: {  	s2 =	sld [smem:$0x3FA9]  }
0x29: {  	s4 =	sld [smem:$0x3FAB]  }
0x2a: {  	p0 =	seq.s32 s5, $0x0;
	s5 =	sld [smem:$0x3FAC]  }
0x2b: {  	s6 =	sld [smem:$0x3FAD]  }
0x2c: {  	s7 =	sld [smem:$0x3FAE]  }
0x2d: {  	s3 =	simm.s32 $0x108;
	s8 =	sld [smem:$0x3FAF]  }
0x2e: {  	s3 =	simm.s32 @!p0 $0x1082;
	s9 =	sld [smem:$0x3FB0]  }
0x2f: {  	lr =	sadd.s32 s0, s3;
	s0 =	sld [smem:$0x3FA7]  }
0x30: {  	s3 =	sld [smem:$0x3FAA]  }
0x31: {  	[smem:$0x3FB3] =	sst s10  }
0x32: {  	s10 =	sld [smem:$0x3FB1];
	_ =	sdelay $0x3  }
0x33: {  	p0 =	seq.s32 s10, $0x1;
	s10 =	sld [smem:$0x3FB3];
	_ =	sdelay $0x3  }
0x34: {  	[smem:$0x3FB3] =	sst s10  }
0x35: {  	s10 =	sld [smem:$0x3FB2];
	_ =	sdelay $0x3  }
0x36: {  	p1 =	seq.s32 s10, $0x1;
	s10 =	sld [smem:$0x3FB3];
	_ =	sdelay $0x3  }
0x37: {  	[smem:$0x3FB3] =	sst s10  }
0x38: {  	s10 =	sld [smem:$0x3FB4]  }
0x39: {  	_ = 	snop;
	(pc) =	sbr.ind lr, $3  }
0x3a: {  	_ = 	snop  }
0x3b: {  	_ = 	snop  }
0x3c: {  	p2 =	seq.s32 s10, $0x1;
	s10 =	sld [smem:$0x3FB3]  }
0x3d: {  	_ =	shalt  }
0x3e: {  	_ =	shalt  }
0x3f: {  	_ =	shalt  }
0x40: {  	_ =	shalt  }
0x41: {  	_ =	shalt  }
0x42: {  	_ =	shalt  }
0x43: {  	_ =	shalt  }
0x44: {  	_ =	shalt  }
0x45: {  	_ =	shalt  }
0x46: {  	_ =	shalt  }
0x47: {  	_ =	shalt  }
0x48: {  	_ =	shalt  }
0x49: {  	_ =	shalt  }
0x4a: {  	_ =	shalt  }
0x4b: {  	_ =	shalt  }
0x4c: {  	_ =	shalt  }
0x4d: {  	_ =	shalt  }
0x4e: {  	_ =	shalt  }
0x4f: {  	_ =	shalt  }
0x50: {  	_ =	shalt  }
0x51: {  	_ =	shalt  }
0x52: {  	_ =	shalt  }
0x53: {  	_ =	shalt  }
0x54: {  	_ =	shalt  }
0x55: {  	_ =	shalt  }
0x56: {  	_ =	shalt  }
0x57: {  	_ =	shalt  }
0x58: {  	_ =	shalt  }
0x59: {  	_ =	shalt  }
0x5a: {  	_ =	shalt  }
0x5b: {  	_ =	shalt  }
0x5c: {  	_ =	shalt  }
0x5d: {  	_ =	shalt  }
0x5e: {  	_ =	shalt  }
0x5f: {  	_ =	shalt  }
0x60: {  	_ =	shalt  }
0x61: {  	_ =	shalt  }
0x62: {  	_ =	shalt  }
0x63: {  	_ =	shalt  }
0x64: {  	_ =	shalt  }
0x65: {  	_ =	shalt  }
0x66: {  	_ =	shalt  }
0x67: {  	_ =	shalt  }
0x68: {  	_ =	shalt  }
0x69: {  	_ =	shalt  }
0x6a: {  	_ =	shalt  }
0x6b: {  	_ =	shalt  }
0x6c: {  	_ =	shalt  }
0x6d: {  	_ =	shalt  }
0x6e: {  	_ =	shalt  }
0x6f: {  	_ =	shalt  }
0x70: {  	_ =	shalt  }
0x71: {  	_ =	shalt  }
0x72: {  	_ =	shalt  }
0x73: {  	_ =	shalt  }
0x74: {  	_ =	shalt  }
0x75: {  	_ =	shalt  }
0x76: {  	_ =	shalt  }
0x77: {  	_ =	shalt  }
0x78: {  	_ =	shalt  }
0x79: {  	_ =	shalt  }
0x7a: {  	_ =	shalt  }
0x7b: {  	_ =	shalt  }
0x7c: {  	_ =	shalt  }
0x7d: {  	_ =	shalt  }
0x7e: {  	_ =	shalt  }
0x7f: {  	_ =	shalt  }
0x80: {  	_ =	shalt  }
0x81: {  	_ =	shalt  }
0x82: {  	_ =	shalt  }
0x83: {  	_ =	shalt  }
0x84: {  	_ =	shalt  }
0x85: {  	_ =	shalt  }
0x86: {  	_ =	shalt  }
0x87: {  	_ =	shalt  }
.Lfunc_end0:
.L_simem_size_0:
called_computation_lowered:
.L_overlay_start_0:
0x88: {  	s2 =	sld [smem:$0x3FD9]  }
0x89: {  	s3 =	sld [smem:$0x3FFE];
	_ =	sdelay $0x1  }
0x8a: {  	s1 =	srdreg.scid  }
0x8b: {  	s0 =	sand.u32 $0x1, s1  }
0x8c: {  	s14 =	sshll.u32 s0, $0xA;
	s2 =	sadd.s32 s3, s2  }
0x8d: {  	s2 =	sadd.s32 s2, s14  }
0x8e: {  	[smem:$0x3FBF] =	sst s2  }
0x8f: {  	_ = 	snop  }
0x90: {  	s2 =	sld [smem:$0x3FD0];
	_ =	sdelay $0x2  }
0x91: {  	s4 =	simm.s32 $0xA;
	s5 =	simm.s32 $0x10;
	s15 =	sld [smem:$0x3FC7]  }
0x92: {  	[smem:s5], [sflag:s4] =	dma.local [hbm:s2], $0x1  }
0x93: {  	_ =	swait.eq [sflag:s4], $0x1  }
0x94: {  	[sflag:s4] =	ssyncset.done $0x0  }
0x95: {  	[sflag:s4] =	ssyncadd.s32 $0xFFFFFFFF  }
0x96: {  	s16 =	sld [smem:$0x10];
	(tm) =	ssettm $0x1  }
0x97: {  	s17 =	sld [smem:$0x3FFB];
	_ =	sdelay $0x3  }
0x98: {  	_ =	strace s17  }
0x99: {  	s4 =	sld [smem:$0x3FFC];
	_ =	sdelay $0x3  }
0x9a: {  	_ =	strace s4  }
0x9b: {  	s4 =	sld [smem:$0x3FFD];
	_ =	sdelay $0x3  }
0x9c: {  	_ =	strace s4  }
0x9d: {  	_ =	strace $0x8FFFFFFF  }
0x9e: {  	s18 =	sld [smem:$0x3FDB];
	_ =	sdelay $0x1  }
0x9f: {  	s19 =	simm.s32 $_scs_section_size  }
0xa0: {  	s6 =	simm.s32 $_size__tile_overlayer_lowered;
	s7 =	simm.s32 $_tile_overlayer_lowered  }
0xa1: {  	s22 =	simm.s32 $0x1BFF;
	s21 =	sshll.u32 s7, $0x1;
	s4 =	sadd.s32 s19, s18  }
0xa2: {  	s8 =	simm.s32 $0x0;
	s20 =	sshll.u32 s6, $0x1;
	s6 =	sadd.s32 s21, s4  }
0xa3: {  	[timem:s8], [sflag:s22] =	dma.local [hbm:s6], s20  }
0xa4: {  	_ =	swait.ge [sflag:s22], s20  }
0xa5: {  	s5 =	ssub.s32 $0x0, s20;
	[sflag:s22] =	ssyncset.done $0x0  }
0xa6: {  	[sflag:s22] =	ssyncadd.s32 s5;
	_ =	sdelay $0x1  }
0xa7: {  	s23 =	simm.s32 $0x1B8B  }
0xa8: {  	_ =	swait.ge [sflag:s23], $0x1  }
0xa9: {  	[sflag:s23] =	ssyncset.done $0x0  }
0xaa: {  	s25 =	simm.s32 $0x1B8E;
	s24 =	sld [smem:$0x3FFE];
	[sflag:s23] =	ssyncadd.s32 $0xFFFFFFFF  }
0xab: {  	s26 =	simm.s32 $execute0_lowered;
	[smem:$0x3FD2] =	sst s25  }
0xac: {  	s6 =	sshll.u32 s26, $0x1;
	_ =	strace $0x80000046;
	[dreg:$0x1] =	wrdreg $0xFFFFFFFF  }
0xad: {  	s28 =	simm.s32 $_size_execute0_lowered;
	s4 =	sadd.s32 s4, s6;
	[dreg:$0x0] =	wrdreg $0x0  }
0xae: {  	s6 =	sshll.u32 s28, $0x1;
	[dreg:$0x2] =	wrdreg s4  }
0xaf: {  	[dreg:$0x3] =	wrdreg s6  }
0xb0: {  	[dreg:$0x4] =	wrdreg $0xC0  }
0xb1: {  	_ =	task [dreg:s8], $0x5FFFF  }
0xb2: {  	[dreg:$0x1] =	wrdreg $0xFFFFFFFF  }
0xb3: {  	[dreg:$0x0] =	wrdreg $0x60  }
0xb4: {  	[dreg:$0x2] =	wrdreg s24  }
0xb5: {  	[dreg:$0x3] =	wrdreg s15  }
0xb6: {  	[dreg:$0x4] =	wrdreg s16  }
0xb7: {  	[dreg:$0x5] =	wrdreg $0x29000  }
0xb8: {  	[dreg:$0x6] =	wrdreg $0x9  }
0xb9: {  	_ =	task.clear_ibuf [dreg:s8], $0x7FFFF;
	_ =	strace $0x90000046  }
0xba: {  	s29 =	simm.s32 $0x9;
	_ =	strace $0x80000048  }
0xbb: {  	_ =	swait.ge [sflag:s29], $0x1  }
0xbc: {  	[sflag:s29] =	ssyncadd.s32 $0xFFFFFFFF  }
0xbd: {  	_ =	strace $0x90000048  }
0xbe: {  	_ =	sfence  }
0xbf: {  	s30 =	sld [smem:$0x0];
	_ =	sdelay $0x2  }
0xc0: {  	s31 =	sshll.u32 s1, $0xD;
	s1 =	sshrl.u32 s1, $0x2  }
0xc1: {  	s3 =	sand.u32 $0x4000, s31;
	s1 =	sadd.s32 s1, s30  }
0xc2: {  	s0 =	sor.u32 s3, s0;
	s1 =	sshll.u32 s1, $0x11  }
0xc3: {  	s0 =	sor.u32 s1, s0  }
0xc4: {  	s0 =	sadd.s32 $0x8F2B, s0  }
0xc5: {  	[sflag:s0] =	ssyncadd.remote.s32 $0x1  }
0xc6: {  	_ =	sfence.sel $0xFFFF  }
0xc7: {  	[dreg:$0x0] =	wrdreg $0xFFFFFFFF;
	(pc) =	sbr.abs _section_cstart, $3  }
0xc8: {  	[dreg:$0x1] =	wrdreg $0xFFFFFFFF  }
0xc9: {  	_ =	task.clear_ibuf [dreg:s8], $0x2FFFF;
	_ =	strace $0x9FFFFFFF  }
0xca: {  	(tm) =	ssettm $0x7FFFFFFF  }
0xcb: {  	_ =	shalt  }
tec
execute0_lowered:
.L_overlay_start_1:
0x0: {  	(tag) =	ssettag $0x1  }
0x1: {  	s7 =	rddreg [dreg:$0x0]  }
0x2: {  	s8 =	rddreg [dreg:$0x1]  }
0x3: {  	s9 =	rddreg [dreg:$0x2]  }
0x4: {  	s1 =	rddreg [dreg:$0x3]  }
0x5: {  	s0 =	rddreg [dreg:$0x4];
	s2 =	simm.s32 $0x0;
	s3 =	srdreg.scid  }
0x6: {  	s14 =	simm.s32 $0x2;
	s15 =	simm.s32 $0x0;
	[smem:$0x7FF] =	sst s2  }
0x7: {  	s6 =	sand.u32 $0x1, s3;
	s4 =	sadd.s32 $0x15000, s7;
	s10 =	sadd.s32 $0x3C200, s7  }
0x8: {  	s5 =	sadd.s32 $0x63400, s7;
	s3 =	stileid.u32;
	_ =	strace $0x80000047  }
0x9: {  	s11 =	ssub.s32 $0x2, s6;
	p1 =	seq.s32 s6, $0x1;
	s13 =	smul.u32 $0x4E200, s3  }
0xa: {  	p0 =	seq.s32 s6, $0x0;
	s31 =	smul.u32 $0x9C4, s3;
	s12 =	sshrl.u32 s11, $0x1  }
0xb: {  	s4 =	smov.u32 @p0 s9;
	s5 =	smov.u32 @p0 s10;
	s9 =	simm.s32 $0x50  }
0xc: {  	s10 =	simm.s32 $0x2880;
	s11 =	ssub.s32 s11, s12;
	s12 =	simm.s32 $0x1400  }
0xd: {  	s12 =	simm.s32 @!p1 $0xB200;
	s6 =	smax.u32 s11, $0x1;
	s11 =	simm.s32 $0x80  }
0xe: {  	s30 =	sadd.s32 s12, s7;
	s7 =	sadd.s32 s13, s8;
	s13 =	simm.s32 $0x2  }
0xf: {  	v0 =	vimm.f32 $0.0e+00;
	v1 =	vlaneseq.u32;
	v2 =	vimm.f32 $1.000000000e+00;
	s12 =	simm.s32 $0x1;
	s8 =	sadd.s32 s31, s30;
	s13 =	simm.s32 @!p0 $0x1  }
.LBB2_1:
0x10: {  	s16 =	simm.s32 $0x0;
	s17 =	simm.s32 $0x0  }
.LBB2_2:
0x11: {  	p0 =	sne.s32 s17, $0x9FC0  }
.Ltmp0:
0x12: {  	_ = 	snop;
	(pc) =	sbr.rel @p0 .LBB2_2-.Ltmp0, $4  }
0x13: {  	s18 =	sand.u32 $0xFE00, s17  }
0x14: {  	s19 =	sand.u32 $0x70, s16;
	s18 =	sshrl.u32 s18, $0x2  }
0x15: {  	s18 =	sor.u32 s19, s18  }
0x16: {  	s16 =	sadd.s32 $0x10, s16;
	s17 =	sadd.s32 $0x40, s17;
	[tilespmem:s18+$0x80] =	vst v0  }
0x17: {  	s16 =	sadd.s32 $0x0, s3  }
0x18: {  	p0 =	slt.s32 s16, $0x7C  }
0x19: {  	s16 =	simm.s32 @!p0 $0x7C  }
0x1a: {  	s16 =	smul.u32 $0x50, s16;
	_ =	sdelay $0x1  }
0x1b: {  	v3 =	vor.u32 s16, v1;
	s17 =	sadd.s32 $0x40, s16  }
0x1c: {  	s18 =	sadd.s32 $0x30, s16;
	[tilespmem:$0x2880] =	vst v3;
	v3 =	vor.u32 s17, v1  }
0x1d: {  	s31 =	sadd.s32 $0x20, s16;
	s16 =	sadd.s32 $0x10, s16;
	v4 =	vor.u32 s18, v1;
	[tilespmem:$0x28C0] =	vst v3  }
0x1e: {  	s17 =	sadd.s32 $0x10, s3;
	v63 =	vor.u32 s16, v1;
	[tilespmem:$0x28B0] =	vst v4  }
0x1f: {  	v3 =	vor.u32 s31, v1;
	p0 =	slt.s32 s17, $0x7C;
	[tilespmem:$0x2890] =	vst v63  }
0x20: {  	[tilespmem:$0x28A0] =	vst v3;
	s17 =	simm.s32 @!p0 $0x7C  }
0x21: {  	[spmem:s1] =	stream.indirect.scatter [tilespmem:s11], [sflag:$0x1], $0x80, s10, s9, $0xb8;
	[tilespmem:$0x16180] =	vst v63  }
0x22: {  	s16 =	smul.u32 $0x50, s17;
	_ =	swait.ge [sflag:s12], $0x2800  }
0x23: {  	s17 =	simm.s32 $0x20;
	[sflag:s12] =	ssyncset.done $0x0  }
.LBB2_4:
0x24: {  	p0 =	sne.s32 s17, $0x70;
	v3 =	vor.u32 s16, v1;
	s18 =	sadd.s32 $0x40, s16;
	[sflag:s12] =	ssyncadd.s32 $0xFFFFD800  }
0x25: {  	s19 =	sadd.s32 $0x30, s16;
	[tilespmem:$0x2880] =	vst v3;
	v3 =	vor.u32 s18, v1  }
0x26: {  	s20 =	sadd.s32 $0x20, s16;
	s18 =	sadd.s32 s17, s3;
	v4 =	vor.u32 s19, v1;
	[tilespmem:$0x28C0] =	vst v3  }
.Ltmp1:
0x27: {  	s16 =	sadd.s32 $0x10, s16;
	p1 =	slt.s32 s18, $0x7C;
	v3 =	vor.u32 s20, v1;
	[tilespmem:$0x28B0] =	vst v4;
	(pc) =	sbr.rel @p0 .LBB2_4-.Ltmp1, $4  }
0x28: {  	s18 =	simm.s32 @!p1 $0x7C;
	v4 =	vor.u32 s16, v1;
	[tilespmem:$0x28A0] =	vst v3  }
0x29: {  	[tilespmem:$0x2890] =	vst v4;
	[spmem:s1] =	stream.indirect.scatter [tilespmem:s11], [sflag:$0x1], $0x80, s10, s9, $0xb8  }
0x2a: {  	s16 =	smul.u32 $0x50, s18;
	_ =	swait.ge [sflag:s12], $0x2800  }
0x2b: {  	s17 =	sadd.s32 $0x10, s17;
	[sflag:s12] =	ssyncset.done $0x0  }
0x2c: {  	v3 =	vor.u32 s16, v1;
	s17 =	sadd.s32 $0x40, s16;
	[sflag:s12] =	ssyncadd.s32 $0xFFFFD800  }
0x2d: {  	s18 =	sadd.s32 $0x30, s16;
	[tilespmem:$0x2880] =	vst v3;
	v3 =	vor.u32 s17, v1  }
0x2e: {  	s30 =	sadd.s32 $0x10, s16;
	v4 =	vor.u32 s18, v1;
	[tilespmem:$0x28C0] =	vst v3  }
0x2f: {  	s29 =	sadd.s32 $0x20, s16;
	v63 =	vor.u32 s30, v1;
	[tilespmem:$0x28B0] =	vst v4  }
0x30: {  	v3 =	vor.u32 s29, v1;
	[tilespmem:$0x2890] =	vst v63  }
0x31: {  	[tilespmem:$0x28A0] =	vst v3  }
0x32: {  	[spmem:s1] =	stream.indirect.scatter [tilespmem:s11], [sflag:$0x1], $0x80, s10, s9, $0xb8;
	[tilespmem:$0x16180] =	vst v63  }
0x33: {  	_ =	swait.ge [sflag:s12], $0x2800  }
0x34: {  	[sflag:s12] =	ssyncset.done $0x0  }
0x35: {  	[sflag:s12] =	ssyncadd.s32 $0xFFFFD800  }
0x36: {  	s31 =	sadd.s32 $0x0, s8;
	[bflag:$0x0] =	sbarrier.arrive $0xFFFF  }
0x37: {  	[tilespmem:s2], [sflag:$0x1] =	stream.linear.gather [hbm4b:s31+s2], $0x50, $0x38;
	[tilespmem:$0x16180] =	vst v63  }
0x38: {  	_ =	swait.ge [sflag:s12], $0x50  }
0x39: {  	[sflag:s12] =	ssyncset.done $0x0  }
0x3a: {  	[sflag:s12] =	ssyncadd.s32 $0xFFFFFFB0  }
0x3b: {  	[tilespmem:s11], [sflag:$0x1] =	stream.linear.gather [hbm4b:s7+s2], $0x2800, $0x38;
	[tilespmem:$0x16180] =	vst v63  }
0x3c: {  	_ =	swait.ge [sflag:s12], $0x2800  }
0x3d: {  	[sflag:s12] =	ssyncset.done $0x0  }
0x3e: {  	[sflag:s12] =	ssyncadd.s32 $0xFFFFD800  }
0x3f: {  	[spmem:s1] =	stream.indirect.scatter.add.f32 [tilespmem:s11], [sflag:$0x1], $0x80, s2, s9, $0xb8;
	[tilespmem:$0x16180] =	vst v63  }
0x40: {  	s16 =	sadd.s32 $0x500, s7;
	_ =	swait.ge [sflag:s12], $0x2800  }
0x41: {  	s17 =	simm.s32 $0xA;
	s18 =	simm.s32 $0x14;
	[sflag:s12] =	ssyncset.done $0x0  }
.LBB2_6:
0x42: {  	s19 =	sadd.s32 s17, s8  }
0x43: {  	[sflag:s12] =	ssyncadd.s32 $0xFFFFD800;
	s17 =	smov.u32 s18;
	s20 =	sadd.s32 $0xA, s18  }
0x44: {  	[tilespmem:s2], [sflag:$0x1] =	stream.linear.gather [hbm4b:s19+s2], $0x50, $0x38;
	[tilespmem:$0x16180] =	vst v63  }
0x45: {  	p0 =	sne.s32 s18, $0x9BA;
	_ =	swait.ge [sflag:s12], $0x50  }
0x46: {  	[sflag:s12] =	ssyncset.done $0x0  }
0x47: {  	[sflag:s12] =	ssyncadd.s32 $0xFFFFFFB0  }
0x48: {  	[tilespmem:s11], [sflag:$0x1] =	stream.linear.gather [hbm4b:s16+s2], $0x2800, $0x38;
	[tilespmem:$0x16180] =	vst v63  }
0x49: {  	_ =	swait.ge [sflag:s12], $0x2800  }
.Ltmp2:
0x4a: {  	[sflag:s12] =	ssyncset.done $0x0;
	(pc) =	sbr.rel @p0 .LBB2_6-.Ltmp2, $4  }
0x4b: {  	[sflag:s12] =	ssyncadd.s32 $0xFFFFD800  }
0x4c: {  	[spmem:s1] =	stream.indirect.scatter.add.f32 [tilespmem:s11], [sflag:$0x1], $0x80, s2, s9, $0xb8;
	[tilespmem:$0x16180] =	vst v63  }
0x4d: {  	_ =	swait.ge [sflag:s12], $0x2800  }
0x4e: {  	s18 =	smov.u32 s20;
	s16 =	sadd.s32 $0x500, s16;
	[sflag:s12] =	ssyncset.done $0x0  }
0x4f: {  	s17 =	sadd.s32 s17, s8;
	[sflag:s12] =	ssyncadd.s32 $0xFFFFD800  }
0x50: {  	[tilespmem:s2], [sflag:$0x1] =	stream.linear.gather [hbm4b:s17+s2], $0x50, $0x38;
	[tilespmem:$0x16180] =	vst v63  }
0x51: {  	_ =	swait.ge [sflag:s12], $0x50  }
0x52: {  	[sflag:s12] =	ssyncset.done $0x0  }
0x53: {  	[sflag:s12] =	ssyncadd.s32 $0xFFFFFFB0  }
0x54: {  	[tilespmem:s11], [sflag:$0x1] =	stream.linear.gather [hbm4b:s16+s2], $0x2800, $0x38;
	[tilespmem:$0x16180] =	vst v63  }
0x55: {  	s17 =	sadd.s32 $0x0, s3;
	_ =	swait.ge [sflag:s12], $0x2800  }
0x56: {  	p0 =	slt.s32 s17, $0x7C;
	[sflag:s12] =	ssyncset.done $0x0  }
0x57: {  	s17 =	simm.s32 @!p0 $0x7C;
	[sflag:s12] =	ssyncadd.s32 $0xFFFFD800  }
0x58: {  	[spmem:s1] =	stream.indirect.scatter.add.f32 [tilespmem:s11], [sflag:$0x1], $0x80, s2, s9, $0xb8;
	[tilespmem:$0x16180] =	vst v63  }
0x59: {  	s30 =	smul.u32 $0x50, s17;
	_ =	swait.ge [sflag:s12], $0x2800  }
0x5a: {  	[sflag:s12] =	ssyncset.done $0x0  }
0x5b: {  	s18 =	sadd.s32 $0x10, s30;
	[sflag:s12] =	ssyncadd.s32 $0xFFFFD800  }
0x5c: {  	s31 =	sadd.s32 $0x30, s30;
	v3 =	vor.u32 s18, v1;
	[bflag:$0x0] =	sbarrier.arrive $0xFFFF  }
0x5d: {  	v4 =	vor.u32 s31, v1;
	[tilespmem:$0x2890] =	vst v3  }
0x5e: {  	s19 =	sadd.s32 $0x40, s30;
	v63 =	vor.u32 s30, v1;
	[tilespmem:$0x28B0] =	vst v4  }
0x5f: {  	s16 =	sadd.s32 $0x20, s30;
	v3 =	vor.u32 s19, v1;
	[tilespmem:$0x2880] =	vst v63  }
0x60: {  	[tilespmem:$0x28C0] =	vst v3;
	v3 =	vor.u32 s16, v1  }
0x61: {  	s17 =	smul.u32 $0x500, s17;
	s16 =	sadd.s32 $0x10, s3;
	[tilespmem:$0x28A0] =	vst v3  }
0x62: {  	[tilespmem:s11], [sflag:$0x2] =	stream.indirect.gather [spmem:s1], $0x80, s10, s9, $0xb8;
	[tilespmem:$0x16180] =	vst v63  }
0x63: {  	s18 =	simm.s32 $0x20;
	p1 =	slt.s32 s16, $0x7C;
	_ =	swait.ge [sflag:s14], $0x2800  }
.LBB2_8:
0x64: {  	s16 =	simm.s32 @!p1 $0x7C  }
0x65: {  	[sflag:s14] =	ssyncset.done $0x0;
	s19 =	smov.u32 s18;
	s20 =	sadd.s32 $0x10, s18  }
0x66: {  	s17 =	sadd.s32 s4, s17;
	s21 =	smul.u32 $0x50, s16;
	[sflag:s14] =	ssyncadd.s32 $0xFFFFD800  }
0x67: {  	[hbm4b:s17+s2] =	stream.linear.scatter [tilespmem:s11], [sflag:s13], $0x2800, $0x38;
	[tilespmem:$0x16180] =	vst v63  }
0x68: {  	v3 =	vor.u32 s21, v1;
	s17 =	sadd.s32 $0x10, s21;
	s22 =	sadd.s32 $0x20, s21;
	_ =	swait.ge [sflag:s13], $0x2800  }
0x69: {  	v4 =	vor.u32 s17, v1;
	v5 =	vor.u32 s22, v1;
	s17 =	sadd.s32 $0x30, s21;
	s21 =	sadd.s32 $0x40, s21;
	[sflag:s13] =	ssyncset.done $0x0  }
0x6a: {  	p0 =	sne.s32 s18, $0x70;
	v6 =	vor.u32 s17, v1;
	v7 =	vor.u32 s21, v1;
	s17 =	smul.u32 $0x500, s16;
	[sflag:s13] =	ssyncadd.s32 $0xFFFFD800  }
0x6b: {  	[tilespmem:$0x2890] =	vst v4  }
0x6c: {  	[tilespmem:$0x28B0] =	vst v6  }
.Ltmp3:
0x6d: {  	[tilespmem:$0x28C0] =	vst v7;
	(pc) =	sbr.rel @p0 .LBB2_8-.Ltmp3, $4  }
0x6e: {  	[tilespmem:$0x2880] =	vst v3  }
0x6f: {  	s16 =	sadd.s32 s19, s3;
	[tilespmem:$0x28A0] =	vst v5  }
0x70: {  	[tilespmem:s11], [sflag:$0x2] =	stream.indirect.gather [spmem:s1], $0x80, s10, s9, $0xb8;
	[tilespmem:$0x16180] =	vst v63  }
0x71: {  	s18 =	smov.u32 s20;
	p1 =	slt.s32 s16, $0x7C;
	_ =	swait.ge [sflag:s14], $0x2800  }
0x72: {  	s16 =	simm.s32 @!p1 $0x7C;
	[sflag:s14] =	ssyncset.done $0x0  }
0x73: {  	s17 =	sadd.s32 s4, s17;
	s18 =	smul.u32 $0x50, s16;
	[sflag:s14] =	ssyncadd.s32 $0xFFFFD800  }
0x74: {  	[hbm4b:s17+s2] =	stream.linear.scatter [tilespmem:s11], [sflag:s13], $0x2800, $0x38;
	[tilespmem:$0x16180] =	vst v63  }
0x75: {  	_ =	swait.ge [sflag:s13], $0x2800  }
0x76: {  	s25 =	sadd.s32 $0x10, s18;
	[sflag:s13] =	ssyncset.done $0x0  }
0x77: {  	s26 =	sadd.s32 $0x30, s18;
	v3 =	vor.u32 s25, v1;
	[sflag:s13] =	ssyncadd.s32 $0xFFFFD800  }
0x78: {  	v4 =	vor.u32 s26, v1;
	[tilespmem:$0x2890] =	vst v3  }
0x79: {  	s19 =	sadd.s32 $0x40, s18;
	v63 =	vor.u32 s18, v1;
	[tilespmem:$0x28B0] =	vst v4  }
0x7a: {  	s28 =	sadd.s32 $0x20, s18;
	v3 =	vor.u32 s19, v1;
	[tilespmem:$0x2880] =	vst v63  }
0x7b: {  	[tilespmem:$0x28C0] =	vst v3;
	v3 =	vor.u32 s28, v1  }
0x7c: {  	[tilespmem:$0x28A0] =	vst v3  }
0x7d: {  	[tilespmem:s11], [sflag:$0x2] =	stream.indirect.gather [spmem:s1], $0x80, s10, s9, $0xb8;
	[tilespmem:$0x16180] =	vst v63  }
0x7e: {  	s16 =	smul.u32 $0x500, s16;
	_ =	swait.ge [sflag:s14], $0x2800  }
0x7f: {  	[sflag:s14] =	ssyncset.done $0x0  }
0x80: {  	s16 =	sadd.s32 s4, s16;
	[sflag:s14] =	ssyncadd.s32 $0xFFFFD800  }
0x81: {  	[hbm4b:s16+s2] =	stream.linear.scatter [tilespmem:s11], [sflag:s13], $0x2800, $0x38;
	[tilespmem:$0x16180] =	vst v63  }
0x82: {  	s16 =	simm.s32 $0x0;
	_ =	swait.ge [sflag:s13], $0x2800  }
0x83: {  	s29 =	sand.u32 $0xFE00, s16;
	[sflag:s13] =	ssyncset.done $0x0  }
0x84: {  	s30 =	sand.u32 $0x70, s16;
	s31 =	sshrl.u32 s29, $0x2;
	[sflag:s13] =	ssyncadd.s32 $0xFFFFD800  }
0x85: {  	s17 =	simm.s32 $0x40;
	s18 =	sor.u32 s30, s31;
	[bflag:$0x0] =	sbarrier.arrive $0xFFFF  }
.LBB2_10:
0x86: {  	p0 =	sne.s32 s17, $0x9FC0  }
0x87: {  	[tilespmem:s18+$0x80] =	vst v0;
	s16 =	sadd.s32 $0x10, s16;
	s18 =	smov.u32 s17;
	s17 =	sadd.s32 $0x40, s17  }
.Ltmp4:
0x88: {  	(pc) =	sbr.rel @p0 .LBB2_10-.Ltmp4, $4  }
0x89: {  	_ = 	snop  }
0x8a: {  	s18 =	sand.u32 $0xFE00, s18  }
0x8b: {  	s19 =	sand.u32 $0x70, s16;
	s18 =	sshrl.u32 s18, $0x2  }
0x8c: {  	s18 =	sor.u32 s19, s18  }
0x8d: {  	s16 =	sadd.s32 $0x0, s3  }
0x8e: {  	p0 =	slt.s32 s16, $0x7C  }
0x8f: {  	s16 =	simm.s32 @!p0 $0x7C  }
0x90: {  	s16 =	smul.u32 $0x50, s16;
	_ =	sdelay $0x1  }
0x91: {  	[tilespmem:s18+$0x80] =	vst v0;
	v3 =	vor.u32 s16, v1;
	s17 =	sadd.s32 $0x40, s16  }
0x92: {  	s30 =	sadd.s32 $0x30, s16;
	[tilespmem:$0x2880] =	vst v3;
	v3 =	vor.u32 s17, v1  }
0x93: {  	s31 =	sadd.s32 $0x20, s16;
	s16 =	sadd.s32 $0x10, s16;
	v4 =	vor.u32 s30, v1;
	[tilespmem:$0x28C0] =	vst v3  }
0x94: {  	s17 =	sadd.s32 $0x10, s3;
	v63 =	vor.u32 s16, v1;
	[tilespmem:$0x28B0] =	vst v4  }
0x95: {  	v3 =	vor.u32 s31, v1;
	p0 =	slt.s32 s17, $0x7C;
	[tilespmem:$0x2890] =	vst v63  }
0x96: {  	[tilespmem:$0x28A0] =	vst v3;
	s17 =	simm.s32 @!p0 $0x7C  }
0x97: {  	[spmem:s1] =	stream.indirect.scatter [tilespmem:s11], [sflag:$0x1], $0x80, s10, s9, $0xb8;
	[tilespmem:$0x16180] =	vst v63  }
0x98: {  	s16 =	smul.u32 $0x50, s17;
	_ =	swait.ge [sflag:s12], $0x2800  }
0x99: {  	s17 =	simm.s32 $0x20;
	[sflag:s12] =	ssyncset.done $0x0  }
.LBB2_12:
0x9a: {  	p0 =	sne.s32 s17, $0x70;
	v3 =	vor.u32 s16, v1;
	s18 =	sadd.s32 $0x40, s16;
	[sflag:s12] =	ssyncadd.s32 $0xFFFFD800  }
0x9b: {  	s19 =	sadd.s32 $0x30, s16;
	[tilespmem:$0x2880] =	vst v3;
	v3 =	vor.u32 s18, v1  }
0x9c: {  	s20 =	sadd.s32 $0x20, s16;
	s18 =	sadd.s32 s17, s3;
	v4 =	vor.u32 s19, v1;
	[tilespmem:$0x28C0] =	vst v3  }
.Ltmp5:
0x9d: {  	s16 =	sadd.s32 $0x10, s16;
	p1 =	slt.s32 s18, $0x7C;
	v3 =	vor.u32 s20, v1;
	[tilespmem:$0x28B0] =	vst v4;
	(pc) =	sbr.rel @p0 .LBB2_12-.Ltmp5, $4  }
0x9e: {  	s18 =	simm.s32 @!p1 $0x7C;
	v4 =	vor.u32 s16, v1;
	[tilespmem:$0x28A0] =	vst v3  }
0x9f: {  	[tilespmem:$0x2890] =	vst v4;
	[spmem:s1] =	stream.indirect.scatter [tilespmem:s11], [sflag:$0x1], $0x80, s10, s9, $0xb8  }
0xa0: {  	s16 =	smul.u32 $0x50, s18;
	_ =	swait.ge [sflag:s12], $0x2800  }
0xa1: {  	s17 =	sadd.s32 $0x10, s17;
	[sflag:s12] =	ssyncset.done $0x0  }
0xa2: {  	v3 =	vor.u32 s16, v1;
	s17 =	sadd.s32 $0x40, s16;
	[sflag:s12] =	ssyncadd.s32 $0xFFFFD800  }
0xa3: {  	s18 =	sadd.s32 $0x30, s16;
	[tilespmem:$0x2880] =	vst v3;
	v3 =	vor.u32 s17, v1  }
0xa4: {  	s29 =	sadd.s32 $0x10, s16;
	v4 =	vor.u32 s18, v1;
	[tilespmem:$0x28C0] =	vst v3  }
0xa5: {  	s28 =	sadd.s32 $0x20, s16;
	v63 =	vor.u32 s29, v1;
	[tilespmem:$0x28B0] =	vst v4  }
0xa6: {  	v3 =	vor.u32 s28, v1;
	[tilespmem:$0x2890] =	vst v63  }
0xa7: {  	s16 =	simm.s32 $0x0;
	[tilespmem:$0x28A0] =	vst v3  }
0xa8: {  	[spmem:s1] =	stream.indirect.scatter [tilespmem:s11], [sflag:$0x1], $0x80, s10, s9, $0xb8;
	[tilespmem:$0x16180] =	vst v63  }
0xa9: {  	s30 =	sand.u32 $0xFE00, s16;
	_ =	swait.ge [sflag:s12], $0x2800  }
0xaa: {  	s31 =	sand.u32 $0x70, s16;
	s19 =	sshrl.u32 s30, $0x2;
	[sflag:s12] =	ssyncset.done $0x0  }
0xab: {  	s17 =	simm.s32 $0x40;
	s18 =	sor.u32 s31, s19;
	[sflag:s12] =	ssyncadd.s32 $0xFFFFD800  }
.LBB2_14:
0xac: {  	p0 =	sne.s32 s17, $0x9FC0  }
0xad: {  	[tilespmem:s18+$0x80] =	vst v2;
	s16 =	sadd.s32 $0x10, s16;
	s18 =	smov.u32 s17;
	s17 =	sadd.s32 $0x40, s17  }
.Ltmp6:
0xae: {  	(pc) =	sbr.rel @p0 .LBB2_14-.Ltmp6, $4  }
0xaf: {  	_ = 	snop  }
0xb0: {  	s18 =	sand.u32 $0xFE00, s18  }
0xb1: {  	s19 =	sand.u32 $0x70, s16;
	s18 =	sshrl.u32 s18, $0x2  }
0xb2: {  	s18 =	sor.u32 s19, s18  }
0xb3: {  	[tilespmem:s18+$0x80] =	vst v2  }
0xb4: {  	s16 =	sadd.s32 $0x0, s8;
	[bflag:$0x0] =	sbarrier.arrive $0xFFFF  }
0xb5: {  	[tilespmem:s2], [sflag:$0x1] =	stream.linear.gather [hbm4b:s16+s2], $0x50, $0x38;
	[tilespmem:$0x16180] =	vst v63  }
0xb6: {  	_ =	swait.ge [sflag:s12], $0x50  }
0xb7: {  	[sflag:s12] =	ssyncset.done $0x0  }
0xb8: {  	[sflag:s12] =	ssyncadd.s32 $0xFFFFFFB0  }
0xb9: {  	[spmem:s1] =	stream.indirect.scatter.add.f32 [tilespmem:s11], [sflag:$0x1], $0x80, s2, s9, $0xb8;
	[tilespmem:$0x16180] =	vst v63  }
0xba: {  	_ =	swait.ge [sflag:s12], $0x2800  }
0xbb: {  	s17 =	simm.s32 $0x14;
	s16 =	simm.s32 $0xA;
	[sflag:s12] =	ssyncset.done $0x0  }
.LBB2_16:
0xbc: {  	s18 =	sadd.s32 s16, s8  }
0xbd: {  	[sflag:s12] =	ssyncadd.s32 $0xFFFFD800;
	s16 =	smov.u32 s17;
	s19 =	sadd.s32 $0xA, s17  }
0xbe: {  	[tilespmem:s2], [sflag:$0x1] =	stream.linear.gather [hbm4b:s18+s2], $0x50, $0x38;
	[tilespmem:$0x16180] =	vst v63  }
0xbf: {  	p0 =	sne.s32 s17, $0x9BA;
	_ =	swait.ge [sflag:s12], $0x50  }
.Ltmp7:
0xc0: {  	[sflag:s12] =	ssyncset.done $0x0;
	(pc) =	sbr.rel @p0 .LBB2_16-.Ltmp7, $4  }
0xc1: {  	[sflag:s12] =	ssyncadd.s32 $0xFFFFFFB0  }
0xc2: {  	[spmem:s1] =	stream.indirect.scatter.add.f32 [tilespmem:s11], [sflag:$0x1], $0x80, s2, s9, $0xb8;
	[tilespmem:$0x16180] =	vst v63  }
0xc3: {  	_ =	swait.ge [sflag:s12], $0x2800  }
0xc4: {  	s17 =	smov.u32 s19;
	[sflag:s12] =	ssyncset.done $0x0  }
0xc5: {  	s16 =	sadd.s32 s16, s8;
	[sflag:s12] =	ssyncadd.s32 $0xFFFFD800  }
0xc6: {  	[tilespmem:s2], [sflag:$0x1] =	stream.linear.gather [hbm4b:s16+s2], $0x50, $0x38;
	[tilespmem:$0x16180] =	vst v63  }
0xc7: {  	s17 =	sadd.s32 $0x0, s3;
	_ =	swait.ge [sflag:s12], $0x50  }
0xc8: {  	p0 =	slt.s32 s17, $0x7C;
	[sflag:s12] =	ssyncset.done $0x0  }
0xc9: {  	s17 =	simm.s32 @!p0 $0x7C;
	[sflag:s12] =	ssyncadd.s32 $0xFFFFFFB0  }
0xca: {  	[spmem:s1] =	stream.indirect.scatter.add.f32 [tilespmem:s11], [sflag:$0x1], $0x80, s2, s9, $0xb8;
	[tilespmem:$0x16180] =	vst v63  }
0xcb: {  	s30 =	smul.u32 $0x50, s17;
	_ =	swait.ge [sflag:s12], $0x2800  }
0xcc: {  	[sflag:s12] =	ssyncset.done $0x0  }
0xcd: {  	s18 =	sadd.s32 $0x10, s30;
	[sflag:s12] =	ssyncadd.s32 $0xFFFFD800  }
0xce: {  	s31 =	sadd.s32 $0x30, s30;
	v3 =	vor.u32 s18, v1;
	[bflag:$0x0] =	sbarrier.arrive $0xFFFF  }
0xcf: {  	v4 =	vor.u32 s31, v1;
	[tilespmem:$0x2890] =	vst v3  }
0xd0: {  	s19 =	sadd.s32 $0x40, s30;
	v63 =	vor.u32 s30, v1;
	[tilespmem:$0x28B0] =	vst v4  }
0xd1: {  	s16 =	sadd.s32 $0x20, s30;
	v3 =	vor.u32 s19, v1;
	[tilespmem:$0x2880] =	vst v63  }
0xd2: {  	[tilespmem:$0x28C0] =	vst v3;
	v3 =	vor.u32 s16, v1  }
0xd3: {  	s17 =	smul.u32 $0x500, s17;
	s16 =	sadd.s32 $0x10, s3;
	[tilespmem:$0x28A0] =	vst v3  }
0xd4: {  	[tilespmem:s11], [sflag:$0x2] =	stream.indirect.gather [spmem:s1], $0x80, s10, s9, $0xb8;
	[tilespmem:$0x16180] =	vst v63  }
0xd5: {  	s18 =	simm.s32 $0x20;
	p1 =	slt.s32 s16, $0x7C;
	_ =	swait.ge [sflag:s14], $0x2800  }
.LBB2_18:
0xd6: {  	s16 =	simm.s32 @!p1 $0x7C  }
0xd7: {  	[sflag:s14] =	ssyncset.done $0x0;
	s19 =	smov.u32 s18;
	s20 =	sadd.s32 $0x10, s18  }
0xd8: {  	s17 =	sadd.s32 s5, s17;
	s21 =	smul.u32 $0x50, s16;
	[sflag:s14] =	ssyncadd.s32 $0xFFFFD800  }
0xd9: {  	[hbm4b:s17+s2] =	stream.linear.scatter [tilespmem:s11], [sflag:s13], $0x2800, $0x38;
	[tilespmem:$0x16180] =	vst v63  }
0xda: {  	v3 =	vor.u32 s21, v1;
	s17 =	sadd.s32 $0x10, s21;
	s22 =	sadd.s32 $0x20, s21;
	_ =	swait.ge [sflag:s13], $0x2800  }
0xdb: {  	v4 =	vor.u32 s17, v1;
	v5 =	vor.u32 s22, v1;
	s17 =	sadd.s32 $0x30, s21;
	s21 =	sadd.s32 $0x40, s21;
	[sflag:s13] =	ssyncset.done $0x0  }
0xdc: {  	p0 =	sne.s32 s18, $0x70;
	v6 =	vor.u32 s17, v1;
	v7 =	vor.u32 s21, v1;
	s17 =	smul.u32 $0x500, s16;
	[sflag:s13] =	ssyncadd.s32 $0xFFFFD800  }
0xdd: {  	[tilespmem:$0x2890] =	vst v4  }
0xde: {  	[tilespmem:$0x28B0] =	vst v6  }
.Ltmp8:
0xdf: {  	[tilespmem:$0x28C0] =	vst v7;
	(pc) =	sbr.rel @p0 .LBB2_18-.Ltmp8, $4  }
0xe0: {  	[tilespmem:$0x2880] =	vst v3  }
0xe1: {  	s16 =	sadd.s32 s19, s3;
	[tilespmem:$0x28A0] =	vst v5  }
0xe2: {  	[tilespmem:s11], [sflag:$0x2] =	stream.indirect.gather [spmem:s1], $0x80, s10, s9, $0xb8;
	[tilespmem:$0x16180] =	vst v63  }
0xe3: {  	s18 =	smov.u32 s20;
	p1 =	slt.s32 s16, $0x7C;
	_ =	swait.ge [sflag:s14], $0x2800  }
0xe4: {  	s16 =	simm.s32 @!p1 $0x7C;
	[sflag:s14] =	ssyncset.done $0x0  }
0xe5: {  	s17 =	sadd.s32 s5, s17;
	s18 =	smul.u32 $0x50, s16;
	[sflag:s14] =	ssyncadd.s32 $0xFFFFD800  }
0xe6: {  	[hbm4b:s17+s2] =	stream.linear.scatter [tilespmem:s11], [sflag:s13], $0x2800, $0x38;
	[tilespmem:$0x16180] =	vst v63  }
0xe7: {  	_ =	swait.ge [sflag:s13], $0x2800  }
0xe8: {  	s29 =	sadd.s32 $0x10, s18;
	[sflag:s13] =	ssyncset.done $0x0  }
0xe9: {  	s30 =	sadd.s32 $0x30, s18;
	v3 =	vor.u32 s29, v1;
	[sflag:s13] =	ssyncadd.s32 $0xFFFFD800  }
0xea: {  	v4 =	vor.u32 s30, v1;
	[tilespmem:$0x2890] =	vst v3  }
0xeb: {  	s19 =	sadd.s32 $0x40, s18;
	v63 =	vor.u32 s18, v1;
	[tilespmem:$0x28B0] =	vst v4  }
0xec: {  	s31 =	sadd.s32 $0x20, s18;
	v3 =	vor.u32 s19, v1;
	[tilespmem:$0x2880] =	vst v63  }
0xed: {  	[tilespmem:$0x28C0] =	vst v3;
	v3 =	vor.u32 s31, v1  }
0xee: {  	[tilespmem:$0x28A0] =	vst v3  }
0xef: {  	[tilespmem:s11], [sflag:$0x2] =	stream.indirect.gather [spmem:s1], $0x80, s10, s9, $0xb8;
	[tilespmem:$0x16180] =	vst v63  }
0xf0: {  	s15 =	sadd.s32 $0x1, s15;
	s16 =	smul.u32 $0x500, s16;
	_ =	swait.ge [sflag:s14], $0x2800  }
0xf1: {  	p0 =	sne.s32 s15, s6;
	[sflag:s14] =	ssyncset.done $0x0  }
.Ltmp9:
0xf2: {  	s16 =	sadd.s32 s5, s16;
	[sflag:s14] =	ssyncadd.s32 $0xFFFFD800;
	(pc) =	sbr.rel @p0 .LBB2_1-.Ltmp9, $4  }
0xf3: {  	[hbm4b:s16+s2] =	stream.linear.scatter [tilespmem:s11], [sflag:s13], $0x2800, $0x38;
	[tilespmem:$0x16180] =	vst v63  }
0xf4: {  	_ =	swait.ge [sflag:s13], $0x2800  }
0xf5: {  	[sflag:s13] =	ssyncset.done $0x0  }
0xf6: {  	[sflag:s13] =	ssyncadd.s32 $0xFFFFD800  }
0xf7: {  	_ =	sfence.sel $0x180000  }
0xf8: {  	[bflag:$0x0] =	sbarrier.arrive $0xFFFF  }
0xf9: {  	p0 =	sne.s32 s3, $0x0;
	_ =	strace $0x90000047  }
0xfa: {  	s0 =	sadd.s32 @!p0 $0x100000, s0;
	[bflag:$0x2] =	sbarrier.arrive $0xFFFF  }
0xfb: {  	[sflag:s0] =	ssyncadd.tile.s32 @!p0 $0x1;
	_ =	shalt  }
.Lfunc_end2:
_tile_overlayer_lowered:
.L_overlay_start_2:
0xfc: {  	(tag) =	ssettag $0x2  }
0xfd: {  	s0 =	rddreg [dreg:$0x0];
	s2 =	stileid.u32  }
0xfe: {  	s1 =	rddreg [dreg:$0x1];
	p0 =	sne.s32 s2, $0x0  }
0xff: {  	s3 =	rddreg [dreg:$0x2];
	[bflag:$0x3] =	sbarrier.arrive $0xFFFF;
	s2 =	simm.s32 @!p0 $0x1C01  }
0x100: {  	[timem:s3], [sflag:s2] =	dma.local @!p0 [hbm:s0], s1  }
0x101: {  	s0 =	simm.s32 @!p0 $0x1  }
0x102: {  	_ =	swait.ge @!p0 [sflag:s0], s1  }
0x103: {  	s1 =	ssub.s32 @!p0 $0x0, s1;
	[sflag:s0] =	ssyncset.done @!p0 $0x0  }
0x104: {  	[sflag:s0] =	ssyncadd.s32 @!p0 s1  }
0x105: {  	[bflag:$0x3] =	sbarrier.arrive $0xFFFF  }
0x106: {  	_ =	shalt  }

</sc_bundles>
